<compile_context>
chip_gen: v7x
topology: tpu7x:2x2x1
jax: 0.10.2.dev20260603
libtpu: 0.0.44.dev20260713+nightly
codegen_flags: <defaults>
</compile_context>

<pallas_src>
import functools

import jax
import jax.numpy as jnp
from jax import lax
from jax.experimental import pallas as pl
from jax.experimental.pallas import tpu as pltpu
from jax.experimental.pallas import tpu_sc as plsc

B = 32
N = 20000
F = 30
L = 16
CH = N // L
NEG = -1e30
BIGI = 0x7FFFFFFF
NMS_TH2 = 4.0


def _splat_gather(ref, idx_scalar):
    iv = jnp.broadcast_to(idx_scalar, (L,))
    return plsc.load_gather(ref, [iv])


def _make_sc_kernel():
    mesh = plsc.VectorSubcoreMesh(core_axis_name="c", subcore_axis_name="s")

    @functools.partial(
        pl.kernel,
        mesh=mesh,
        compiler_params=pltpu.CompilerParams(needs_layout_passes=False),
        out_type=[
            jax.ShapeDtypeStruct((B, L), jnp.float32),
            jax.ShapeDtypeStruct((B, 8, 60), jnp.float32),
        ],
        scratch_types=[
            pltpu.VMEM((N,), jnp.float32),
            pltpu.VMEM((N,), jnp.float32),
            pltpu.VMEM((N,), jnp.float32),
            pltpu.VMEM((N,), jnp.float32),
            pltpu.VMEM((L,), jnp.float32),
            pltpu.VMEM((L,), jnp.float32),
            pltpu.VMEM((L,), jnp.float32),
            pltpu.VMEM((8, 60), jnp.float32),
            pltpu.SemaphoreType.DMA,
        ],
    )
    def sc_select(coord_hbm, cls_hbm, glx_hbm, gly_hbm, traj_hbm,
                  info_out, rows_out,
                  xv, yv, cv, sv, glxv, glyv, infov, rowsv, sem):
        b = lax.axis_index("s") * 2 + lax.axis_index("c")
        pltpu.sync_copy(coord_hbm.at[b, 0], xv)
        pltpu.sync_copy(coord_hbm.at[b, 1], yv)
        pltpu.sync_copy(cls_hbm.at[b], cv)
        pltpu.sync_copy(glx_hbm.at[b], glxv)
        pltpu.sync_copy(gly_hbm.at[b], glyv)

        gx = glxv[...]
        gy = glyv[...]
        lanes = lax.broadcasted_iota(jnp.int32, (L,), 0)

        def pass_a(i, c):
            dmin, dmini, smax, smaxi = c
            base = i * L
            xs = xv[pl.ds(base, L)]
            ys = yv[pl.ds(base, L)]
            ss = cv[pl.ds(base, L)]
            dx = xs - gx
            dy = ys - gy
            d2 = dx * dx + dy * dy
            idx = lanes + base
            mlt = d2 < dmin
            dmin = jnp.where(mlt, d2, dmin)
            dmini = jnp.where(mlt, idx, dmini)
            mgt = ss > smax
            smax = jnp.where(mgt, ss, smax)
            smaxi = jnp.where(mgt, idx, smaxi)
            return dmin, dmini, smax, smaxi

        init = (jnp.full((L,), 3.4e38, jnp.float32),
                jnp.zeros((L,), jnp.int32),
                jnp.full((L,), NEG, jnp.float32),
                jnp.zeros((L,), jnp.int32))
        dmin, dmini, smax, smaxi = lax.fori_loop(0, CH, pass_a, init)

        gmin = jnp.min(dmin)
        imin = jnp.min(jnp.where(dmin == gmin, dmini, BIGI))
        g0 = jnp.max(smax)
        sel0 = jnp.min(jnp.where(smax == g0, smaxi, BIGI))

        clsmin = jnp.max(_splat_gather(cv, imin))
        sx = _splat_gather(xv, sel0)
        sy = _splat_gather(yv, sel0)
        de2 = jnp.max((sx - gx) * (sx - gx) + (sy - gy) * (sy - gy))

        gvals = [g0]
        sels = [sel0]
        selx, sely = sx, sy
        for k in range(1, 6):
            src = cv if k == 1 else sv
            write = k < 5

            def nms_pass(i, c, src=src, write=write, selx=selx, sely=sely):
                smax, smaxi = c
                base = i * L
                xs = xv[pl.ds(base, L)]
                ys = yv[pl.ds(base, L)]
                ss = src[pl.ds(base, L)]
                dx = xs - selx
                dy = ys - sely
                d2 = dx * dx + dy * dy
                ss = jnp.where(d2 <= NMS_TH2, NEG, ss)
                if write:
                    sv[pl.ds(base, L)] = ss
                idx = lanes + base
                mgt = ss > smax
                smax = jnp.where(mgt, ss, smax)
                smaxi = jnp.where(mgt, idx, smaxi)
                return smax, smaxi

            smax, smaxi = lax.fori_loop(
                0, CH, nms_pass,
                (jnp.full((L,), NEG, jnp.float32), jnp.zeros((L,), jnp.int32)))
            gk = jnp.max(smax)
            selk = jnp.min(jnp.where(smax == gk, smaxi, BIGI))
            gvals.append(gk)
            sels.append(selk)
            if k < 5:
                selx = _splat_gather(xv, selk)
                sely = _splat_gather(yv, selk)

        founds = [gv > -1e29 for gv in gvals]

        scalars = [clsmin, de2] + gvals + [
            jnp.where(f, 1.0, 0.0).astype(jnp.float32) for f in founds]
        acc = jnp.zeros((L,), jnp.float32)
        for j, v in enumerate(scalars):
            acc = jnp.where(lanes == j, v, acc)
        infov[...] = acc
        pltpu.sync_copy(infov, info_out.at[b])

        row_ids = [imin] + [
            jnp.where(f, s, 0) for f, s in zip(founds, sels)]
        copies = []
        for j, r in enumerate(row_ids):
            copies.append(
                pltpu.async_copy(traj_hbm.at[r + b * N], rowsv.at[j], sem))
        for c in copies:
            c.wait()
        pltpu.sync_copy(rowsv, rows_out.at[b])

    return sc_select


_sc_select = _make_sc_kernel()


def _tc_final(gt_ref, info_ref, rows_ref, loss_ref, de_ref, probs_ref,
              trajs_ref):
    gt = gt_ref[...]
    info = info_ref[...]
    rows = rows_ref[...]
    p = jnp.clip(info[:, 0], 1e-7, 1.0 - 1e-7)
    closs = -jnp.log(p)
    d = rows[:, 0, :] - gt
    ad = jnp.abs(d)
    tl = jnp.mean(jnp.where(ad < 1.0, 0.5 * ad * ad, ad - 0.5), axis=1)
    loss_ref[0, 0] = jnp.mean(tl + closs + 1.0)
    col = lax.broadcasted_iota(jnp.int32, (B, F), 1)
    de_ref[...] = jnp.where(col == F - 1, jnp.sqrt(info[:, 1])[:, None], 0.0)
    kept = info[:, 8:14]
    probs_ref[...] = jnp.where(kept > 0.5, info[:, 2:8], 0.0)
    trajs_ref[...] = rows[:, 1:7, :] * kept[:, :, None]


@jax.jit
def kernel(gt_points, outputs_coord, outputs_class, outputs_traj):
    coord = outputs_coord[:, 0]
    coord_t = jnp.transpose(coord, (0, 2, 1))
    cls2 = outputs_class[:, 0]
    traj2 = outputs_traj.reshape(B * N, F * 2)
    gt_last = gt_points[:, -1, :]
    glx = jnp.broadcast_to(gt_last[:, 0:1], (B, L))
    gly = jnp.broadcast_to(gt_last[:, 1:2], (B, L))

    info, rows = _sc_select(coord_t, cls2, glx, gly, traj2)

    gt2 = gt_points.reshape(B, F * 2)
    loss2, de, probs, trajs = pl.pallas_call(
        _tc_final,
        out_shape=[
            jax.ShapeDtypeStruct((1, 1), jnp.float32),
            jax.ShapeDtypeStruct((B, F), jnp.float32),
            jax.ShapeDtypeStruct((B, 6), jnp.float32),
            jax.ShapeDtypeStruct((B, 6, F * 2), jnp.float32),
        ],
        out_specs=[
            pl.BlockSpec(memory_space=pltpu.SMEM),
            pl.BlockSpec(memory_space=pltpu.VMEM),
            pl.BlockSpec(memory_space=pltpu.VMEM),
            pl.BlockSpec(memory_space=pltpu.VMEM),
        ],
    )(gt2, info, rows)

    loss = loss2[0, 0]
    pred_trajs = trajs.reshape(B, 6, F, 2)
    return loss, de, pred_trajs, probs

# --- scband reference (transcript-rebuilt; emitter-appended) ---
"""Pipeline reference for scband-decoder-predict-57535381897780 (READ-ONLY COPY).

The authoritative reference and input builder live on the scoring server;
editing this copy changes nothing except your own understanding.
"""

import jax, jax.numpy as jnp
import numpy as np

FUTURE = 30
EVAL_NUM = 6
NMS_TH = 2.0


def setup_inputs(seed: int = 0):
    key = jax.random.key(seed)
    k1, k2, k3, k4 = jax.random.split(key, 4)
    B, N, F_ = 32, 20000, FUTURE
    gt_points = jax.random.normal(k1, (B, F_, 2), dtype=jnp.float32) * 10.0
    outputs_coord = jax.random.normal(k2, (B, 1, N, 2), dtype=jnp.float32) * 10.0
    outputs_class = jax.random.uniform(k3, (B, 1, N), dtype=jnp.float32, minval=1e-4, maxval=1.0 - 1e-4)
    outputs_traj = jax.random.normal(k4, (B, 1, N, F_, 2), dtype=jnp.float32) * 10.0
    return {"gt_points": gt_points, "outputs_coord": outputs_coord,
            "outputs_class": outputs_class, "outputs_traj": outputs_traj}


def _per_sample_loss(coord, cls, traj, gt):
    # SetCriterion.forward for one sample
    target = gt[-1]
    dist = jnp.sqrt((target[0] - coord[:, 0]) ** 2 + (target[1] - coord[:, 1]) ** 2)
    idx = jnp.argmin(dist)
    # binary_cross_entropy(predict_class, 1)
    p = jnp.clip(cls[idx], 1e-7, 1.0 - 1e-7)
    class_loss = -jnp.log(p)
    # smooth_l1_loss(predict_traj, gt_points)
    d = traj[idx] - gt
    ad = jnp.abs(d)
    traj_loss = jnp.mean(jnp.where(ad < 1.0, 0.5 * ad ** 2, ad - 0.5))
    # total = traj_loss_w*traj + class_loss_w*class + points_class(=1)
    total_loss = 1.0 * traj_loss + 1.0 * class_loss + 1.0
    amax = jnp.argmax(cls)
    DE = jnp.sqrt((coord[amax, 0] - gt[-1, 0]) ** 2 + (coord[amax, 1] - gt[-1, 1]) ** 2)
    return total_loss, DE


def _nms(coord, cls, traj):
    # goals_NMS: greedy NMS over goals sorted by score descending, keep EVAL_NUM goals
    N = coord.shape[0]
    order = jnp.argsort(-cls)

    def body(j, state):
        sel_idx, count = state
        cand = order[j]
        c = coord[cand]
        sel_c = coord[sel_idx]  # [EVAL_NUM, 2]
        dists = jnp.sqrt(jnp.sum((sel_c - c) ** 2, axis=-1))
        valid = jnp.arange(EVAL_NUM) < count
        far_enough = jnp.all(jnp.where(valid, dists > NMS_TH, True))
        ok = far_enough & (count < EVAL_NUM)
        slot = jnp.minimum(count, EVAL_NUM - 1)
        sel_idx = jnp.where(ok, sel_idx.at[slot].set(cand), sel_idx)
        count = count + ok.astype(jnp.int32)
        return sel_idx, count

    sel_idx, count = jax.lax.fori_loop(0, N, body, (jnp.zeros((EVAL_NUM,), jnp.int32), jnp.int32(0)))
    kept = (jnp.arange(EVAL_NUM) < count).astype(cls.dtype)
    pred_probs = cls[sel_idx] * kept
    pred_trajs = traj[sel_idx] * kept[:, None, None]
    return pred_trajs, pred_probs


def reference(gt_points, outputs_coord, outputs_class, outputs_traj):
    coord = outputs_coord[:, 0]
    cls = outputs_class[:, 0]
    traj = outputs_traj[:, 0]
    loss, DE_last = jax.vmap(_per_sample_loss)(coord, cls, traj, gt_points)
    pred_trajs, pred_probs = jax.vmap(_nms)(coord, cls, traj)
    B = gt_points.shape[0]
    DE = jnp.zeros((B, FUTURE), dtype=jnp.float32).at[:, -1].set(DE_last)
    return loss.mean(), DE, pred_trajs, pred_probs

if __name__ == "__main__":
    import jax
    _d = setup_inputs()
    print(jax.jit(kernel)(*tuple(_d.values())))

</pallas_src>

<mosaic_0001>
#map = affine_map<(d0, d1) -> (0, 0, 0)>
#map1 = affine_map<(d0, d1) -> (0, 0)>
module attributes {stable_mosaic.version = 14 : i64} {
  func.func @sc_select(%arg0: i32, %arg1: i32, %arg2: memref<32x2x20000xf32, #tpu.memory_space<hbm>>, %arg3: memref<32x20000xf32, #tpu.memory_space<hbm>>, %arg4: memref<32x16xf32, #tpu.memory_space<hbm>>, %arg5: memref<32x16xf32, #tpu.memory_space<hbm>>, %arg6: memref<640000x60xf32, #tpu.memory_space<hbm>>, %arg7: memref<32x16xf32, #tpu.memory_space<hbm>>, %arg8: memref<32x8x60xf32, #tpu.memory_space<hbm>>, %arg9: memref<20000xf32, #tpu.memory_space<vmem>>, %arg10: memref<20000xf32, #tpu.memory_space<vmem>>, %arg11: memref<20000xf32, #tpu.memory_space<vmem>>, %arg12: memref<20000xf32, #tpu.memory_space<vmem>>, %arg13: memref<16xf32, #tpu.memory_space<vmem>>, %arg14: memref<16xf32, #tpu.memory_space<vmem>>, %arg15: memref<16xf32, #tpu.memory_space<vmem>>, %arg16: memref<8x60xf32, #tpu.memory_space<vmem>>, %arg17: memref<!tpu.dma_semaphore, #tpu.memory_space<semaphore_mem>>) attributes {dimension_semantics = [#tpu.dimension_semantics<core_parallel>, #tpu.dimension_semantics<subcore_parallel>], iteration_bounds = array<i64: 2, 16>, scalar_prefetch = 0 : i64, scratch_operands = 9 : i64, tpu.core_type = #tpu.core_type<sc_vector_subcore>, window_params = [{transform_indices = #map}, {transform_indices = #map1}, {transform_indices = #map1}, {transform_indices = #map1}, {transform_indices = #map1}, {transform_indices = #map1}, {transform_indices = #map}]} {
    %mul3A = arith.constant 2 : i32
    %mul3A_0 = arith.muli %arg1, %mul3A : i32
    %add3A = arith.addi %mul3A_0, %arg0 : i32
    %run_scoped3A = arith.constant 0 : i32
    "tpu.region"() ({
      %run_scoped3A_531 = tpu.sem_alloc : memref<!tpu.dma_semaphore, #tpu.memory_space<semaphore_mem>>
      %dma_start3A_532 = arith.constant 0 : i32
      %dma_start3A_533 = tpu.memref_slice %arg2[%add3A, %run_scoped3A, %dma_start3A_532] : memref<32x2x20000xf32, #tpu.memory_space<hbm>> -> memref<1x1x20000xf32, #tpu.memory_space<hbm>>
      %dma_start3A_534 = tpu.memref_squeeze %dma_start3A_533 : memref<1x1x20000xf32, #tpu.memory_space<hbm>> -> memref<20000xf32, #tpu.memory_space<hbm>>
      %dma_start3A_535 = arith.constant 0 : i32
      %dma_start3A_536 = tpu.memref_slice %arg2[%add3A, %run_scoped3A, %dma_start3A_535] : memref<32x2x20000xf32, #tpu.memory_space<hbm>> -> memref<1x1x20000xf32, #tpu.memory_space<hbm>>
      %dma_start3A_537 = tpu.memref_squeeze %dma_start3A_536 : memref<1x1x20000xf32, #tpu.memory_space<hbm>> -> memref<20000xf32, #tpu.memory_space<hbm>>
      tpu.enqueue_dma source(%dma_start3A_537 : memref<20000xf32, #tpu.memory_space<hbm>>) target(%arg9 : memref<20000xf32, #tpu.memory_space<vmem>>) target_semaphore(%run_scoped3A_531 : memref<!tpu.dma_semaphore, #tpu.memory_space<semaphore_mem>>)
      %dma_wait3A_538 = arith.constant 0 : i32
      %dma_wait3A_539 = tpu.memref_slice %arg2[%add3A, %run_scoped3A, %dma_wait3A_538] : memref<32x2x20000xf32, #tpu.memory_space<hbm>> -> memref<1x1x20000xf32, #tpu.memory_space<hbm>>
      %dma_wait3A_540 = tpu.memref_squeeze %dma_wait3A_539 : memref<1x1x20000xf32, #tpu.memory_space<hbm>> -> memref<20000xf32, #tpu.memory_space<hbm>>
      %dma_wait3A_541 = arith.constant 0 : i32
      %dma_wait3A_542 = tpu.memref_slice %arg2[%add3A, %run_scoped3A, %dma_wait3A_541] : memref<32x2x20000xf32, #tpu.memory_space<hbm>> -> memref<1x1x20000xf32, #tpu.memory_space<hbm>>
      %dma_wait3A_543 = tpu.memref_squeeze %dma_wait3A_542 : memref<1x1x20000xf32, #tpu.memory_space<hbm>> -> memref<20000xf32, #tpu.memory_space<hbm>>
      tpu.wait_dma2 semaphore(%run_scoped3A_531 : memref<!tpu.dma_semaphore, #tpu.memory_space<semaphore_mem>>) src(%dma_wait3A_543 : memref<20000xf32, #tpu.memory_space<hbm>>) dst(%arg9 : memref<20000xf32, #tpu.memory_space<vmem>>)
      tpu.yield
    }) : () -> ()
    %run_scoped3A_1 = arith.constant 1 : i32
    "tpu.region"() ({
      %run_scoped3A_531 = tpu.sem_alloc : memref<!tpu.dma_semaphore, #tpu.memory_space<semaphore_mem>>
      %dma_start3A_532 = arith.constant 0 : i32
      %dma_start3A_533 = tpu.memref_slice %arg2[%add3A, %run_scoped3A_1, %dma_start3A_532] : memref<32x2x20000xf32, #tpu.memory_space<hbm>> -> memref<1x1x20000xf32, #tpu.memory_space<hbm>>
      %dma_start3A_534 = tpu.memref_squeeze %dma_start3A_533 : memref<1x1x20000xf32, #tpu.memory_space<hbm>> -> memref<20000xf32, #tpu.memory_space<hbm>>
      %dma_start3A_535 = arith.constant 0 : i32
      %dma_start3A_536 = tpu.memref_slice %arg2[%add3A, %run_scoped3A_1, %dma_start3A_535] : memref<32x2x20000xf32, #tpu.memory_space<hbm>> -> memref<1x1x20000xf32, #tpu.memory_space<hbm>>
      %dma_start3A_537 = tpu.memref_squeeze %dma_start3A_536 : memref<1x1x20000xf32, #tpu.memory_space<hbm>> -> memref<20000xf32, #tpu.memory_space<hbm>>
      tpu.enqueue_dma source(%dma_start3A_537 : memref<20000xf32, #tpu.memory_space<hbm>>) target(%arg10 : memref<20000xf32, #tpu.memory_space<vmem>>) target_semaphore(%run_scoped3A_531 : memref<!tpu.dma_semaphore, #tpu.memory_space<semaphore_mem>>)
      %dma_wait3A_538 = arith.constant 0 : i32
      %dma_wait3A_539 = tpu.memref_slice %arg2[%add3A, %run_scoped3A_1, %dma_wait3A_538] : memref<32x2x20000xf32, #tpu.memory_space<hbm>> -> memref<1x1x20000xf32, #tpu.memory_space<hbm>>
      %dma_wait3A_540 = tpu.memref_squeeze %dma_wait3A_539 : memref<1x1x20000xf32, #tpu.memory_space<hbm>> -> memref<20000xf32, #tpu.memory_space<hbm>>
      %dma_wait3A_541 = arith.constant 0 : i32
      %dma_wait3A_542 = tpu.memref_slice %arg2[%add3A, %run_scoped3A_1, %dma_wait3A_541] : memref<32x2x20000xf32, #tpu.memory_space<hbm>> -> memref<1x1x20000xf32, #tpu.memory_space<hbm>>
      %dma_wait3A_543 = tpu.memref_squeeze %dma_wait3A_542 : memref<1x1x20000xf32, #tpu.memory_space<hbm>> -> memref<20000xf32, #tpu.memory_space<hbm>>
      tpu.wait_dma2 semaphore(%run_scoped3A_531 : memref<!tpu.dma_semaphore, #tpu.memory_space<semaphore_mem>>) src(%dma_wait3A_543 : memref<20000xf32, #tpu.memory_space<hbm>>) dst(%arg10 : memref<20000xf32, #tpu.memory_space<vmem>>)
      tpu.yield
    }) : () -> ()
    "tpu.region"() ({
      %run_scoped3A_531 = tpu.sem_alloc : memref<!tpu.dma_semaphore, #tpu.memory_space<semaphore_mem>>
      %dma_start3A_532 = arith.constant 0 : i32
      %dma_start3A_533 = tpu.memref_slice %arg3[%add3A, %dma_start3A_532] : memref<32x20000xf32, #tpu.memory_space<hbm>> -> memref<1x20000xf32, #tpu.memory_space<hbm>>
      %dma_start3A_534 = tpu.memref_squeeze %dma_start3A_533 : memref<1x20000xf32, #tpu.memory_space<hbm>> -> memref<20000xf32, #tpu.memory_space<hbm>>
      %dma_start3A_535 = arith.constant 0 : i32
      %dma_start3A_536 = tpu.memref_slice %arg3[%add3A, %dma_start3A_535] : memref<32x20000xf32, #tpu.memory_space<hbm>> -> memref<1x20000xf32, #tpu.memory_space<hbm>>
      %dma_start3A_537 = tpu.memref_squeeze %dma_start3A_536 : memref<1x20000xf32, #tpu.memory_space<hbm>> -> memref<20000xf32, #tpu.memory_space<hbm>>
      tpu.enqueue_dma source(%dma_start3A_537 : memref<20000xf32, #tpu.memory_space<hbm>>) target(%arg11 : memref<20000xf32, #tpu.memory_space<vmem>>) target_semaphore(%run_scoped3A_531 : memref<!tpu.dma_semaphore, #tpu.memory_space<semaphore_mem>>)
      %dma_wait3A_538 = arith.constant 0 : i32
      %dma_wait3A_539 = tpu.memref_slice %arg3[%add3A, %dma_wait3A_538] : memref<32x20000xf32, #tpu.memory_space<hbm>> -> memref<1x20000xf32, #tpu.memory_space<hbm>>
      %dma_wait3A_540 = tpu.memref_squeeze %dma_wait3A_539 : memref<1x20000xf32, #tpu.memory_space<hbm>> -> memref<20000xf32, #tpu.memory_space<hbm>>
      %dma_wait3A_541 = arith.constant 0 : i32
      %dma_wait3A_542 = tpu.memref_slice %arg3[%add3A, %dma_wait3A_541] : memref<32x20000xf32, #tpu.memory_space<hbm>> -> memref<1x20000xf32, #tpu.memory_space<hbm>>
      %dma_wait3A_543 = tpu.memref_squeeze %dma_wait3A_542 : memref<1x20000xf32, #tpu.memory_space<hbm>> -> memref<20000xf32, #tpu.memory_space<hbm>>
      tpu.wait_dma2 semaphore(%run_scoped3A_531 : memref<!tpu.dma_semaphore, #tpu.memory_space<semaphore_mem>>) src(%dma_wait3A_543 : memref<20000xf32, #tpu.memory_space<hbm>>) dst(%arg11 : memref<20000xf32, #tpu.memory_space<vmem>>)
      tpu.yield
    }) : () -> ()
    "tpu.region"() ({
      %run_scoped3A_531 = tpu.sem_alloc : memref<!tpu.dma_semaphore, #tpu.memory_space<semaphore_mem>>
      %dma_start3A_532 = arith.constant 0 : i32
      %dma_start3A_533 = tpu.memref_slice %arg4[%add3A, %dma_start3A_532] : memref<32x16xf32, #tpu.memory_space<hbm>> -> memref<1x16xf32, #tpu.memory_space<hbm>>
      %dma_start3A_534 = tpu.memref_squeeze %dma_start3A_533 : memref<1x16xf32, #tpu.memory_space<hbm>> -> memref<16xf32, #tpu.memory_space<hbm>>
      %dma_start3A_535 = arith.constant 0 : i32
      %dma_start3A_536 = tpu.memref_slice %arg4[%add3A, %dma_start3A_535] : memref<32x16xf32, #tpu.memory_space<hbm>> -> memref<1x16xf32, #tpu.memory_space<hbm>>
      %dma_start3A_537 = tpu.memref_squeeze %dma_start3A_536 : memref<1x16xf32, #tpu.memory_space<hbm>> -> memref<16xf32, #tpu.memory_space<hbm>>
      tpu.enqueue_dma source(%dma_start3A_537 : memref<16xf32, #tpu.memory_space<hbm>>) target(%arg13 : memref<16xf32, #tpu.memory_space<vmem>>) target_semaphore(%run_scoped3A_531 : memref<!tpu.dma_semaphore, #tpu.memory_space<semaphore_mem>>)
      %dma_wait3A_538 = arith.constant 0 : i32
      %dma_wait3A_539 = tpu.memref_slice %arg4[%add3A, %dma_wait3A_538] : memref<32x16xf32, #tpu.memory_space<hbm>> -> memref<1x16xf32, #tpu.memory_space<hbm>>
      %dma_wait3A_540 = tpu.memref_squeeze %dma_wait3A_539 : memref<1x16xf32, #tpu.memory_space<hbm>> -> memref<16xf32, #tpu.memory_space<hbm>>
      %dma_wait3A_541 = arith.constant 0 : i32
      %dma_wait3A_542 = tpu.memref_slice %arg4[%add3A, %dma_wait3A_541] : memref<32x16xf32, #tpu.memory_space<hbm>> -> memref<1x16xf32, #tpu.memory_space<hbm>>
      %dma_wait3A_543 = tpu.memref_squeeze %dma_wait3A_542 : memref<1x16xf32, #tpu.memory_space<hbm>> -> memref<16xf32, #tpu.memory_space<hbm>>
      tpu.wait_dma2 semaphore(%run_scoped3A_531 : memref<!tpu.dma_semaphore, #tpu.memory_space<semaphore_mem>>) src(%dma_wait3A_543 : memref<16xf32, #tpu.memory_space<hbm>>) dst(%arg13 : memref<16xf32, #tpu.memory_space<vmem>>)
      tpu.yield
    }) : () -> ()
    "tpu.region"() ({
      %run_scoped3A_531 = tpu.sem_alloc : memref<!tpu.dma_semaphore, #tpu.memory_space<semaphore_mem>>
      %dma_start3A_532 = arith.constant 0 : i32
      %dma_start3A_533 = tpu.memref_slice %arg5[%add3A, %dma_start3A_532] : memref<32x16xf32, #tpu.memory_space<hbm>> -> memref<1x16xf32, #tpu.memory_space<hbm>>
      %dma_start3A_534 = tpu.memref_squeeze %dma_start3A_533 : memref<1x16xf32, #tpu.memory_space<hbm>> -> memref<16xf32, #tpu.memory_space<hbm>>
      %dma_start3A_535 = arith.constant 0 : i32
      %dma_start3A_536 = tpu.memref_slice %arg5[%add3A, %dma_start3A_535] : memref<32x16xf32, #tpu.memory_space<hbm>> -> memref<1x16xf32, #tpu.memory_space<hbm>>
      %dma_start3A_537 = tpu.memref_squeeze %dma_start3A_536 : memref<1x16xf32, #tpu.memory_space<hbm>> -> memref<16xf32, #tpu.memory_space<hbm>>
      tpu.enqueue_dma source(%dma_start3A_537 : memref<16xf32, #tpu.memory_space<hbm>>) target(%arg14 : memref<16xf32, #tpu.memory_space<vmem>>) target_semaphore(%run_scoped3A_531 : memref<!tpu.dma_semaphore, #tpu.memory_space<semaphore_mem>>)
      %dma_wait3A_538 = arith.constant 0 : i32
      %dma_wait3A_539 = tpu.memref_slice %arg5[%add3A, %dma_wait3A_538] : memref<32x16xf32, #tpu.memory_space<hbm>> -> memref<1x16xf32, #tpu.memory_space<hbm>>
      %dma_wait3A_540 = tpu.memref_squeeze %dma_wait3A_539 : memref<1x16xf32, #tpu.memory_space<hbm>> -> memref<16xf32, #tpu.memory_space<hbm>>
      %dma_wait3A_541 = arith.constant 0 : i32
      %dma_wait3A_542 = tpu.memref_slice %arg5[%add3A, %dma_wait3A_541] : memref<32x16xf32, #tpu.memory_space<hbm>> -> memref<1x16xf32, #tpu.memory_space<hbm>>
      %dma_wait3A_543 = tpu.memref_squeeze %dma_wait3A_542 : memref<1x16xf32, #tpu.memory_space<hbm>> -> memref<16xf32, #tpu.memory_space<hbm>>
      tpu.wait_dma2 semaphore(%run_scoped3A_531 : memref<!tpu.dma_semaphore, #tpu.memory_space<semaphore_mem>>) src(%dma_wait3A_543 : memref<16xf32, #tpu.memory_space<hbm>>) dst(%arg14 : memref<16xf32, #tpu.memory_space<vmem>>)
      tpu.yield
    }) : () -> ()
    %get3A = arith.constant 0 : index
    %get3A_2 = tpu.vector_load %arg13[%get3A] {strides = array<i32>} : memref<16xf32, #tpu.memory_space<vmem>>, vector<16xf32>,
    %get3A_3 = arith.constant 0 : index
    %get3A_4 = tpu.vector_load %arg14[%get3A_3] {strides = array<i32>} : memref<16xf32, #tpu.memory_space<vmem>>, vector<16xf32>,
    %iota3A = tpu.iota {dimensions = array<i32: 0>} : vector<16xi32>
    %broadcast_in_dim3A = arith.constant 3.400000e+38 : f32
    %broadcast_in_dim3A_5 = vector.broadcast %broadcast_in_dim3A : f32 to vector<16xf32>
    %broadcast_in_dim3A_6 = arith.constant 0 : i32
    %broadcast_in_dim3A_7 = vector.broadcast %broadcast_in_dim3A_6 : i32 to vector<16xi32>
    %broadcast_in_dim3A_8 = arith.constant -1.000000e+30 : f32
    %broadcast_in_dim3A_9 = vector.broadcast %broadcast_in_dim3A_8 : f32 to vector<16xf32>
    %broadcast_in_dim3A_10 = arith.constant 0 : i32
    %broadcast_in_dim3A_11 = vector.broadcast %broadcast_in_dim3A_10 : i32 to vector<16xi32>
    %scan3A = arith.constant 0 : i32
    %scan3A_12 = arith.constant 1250 : i32
    %scan3A_13 = arith.addi %scan3A, %scan3A_12 : i32
    %scan3A_14 = arith.constant 1 : i32
    %scan3A_15:4 = scf.for %scan3A_531 = %scan3A to %scan3A_13 step %scan3A_14 iter_args(%scan3A_532 = %broadcast_in_dim3A_5, %scan3A_533 = %broadcast_in_dim3A_7, %scan3A_534 = %broadcast_in_dim3A_9, %scan3A_535 = %broadcast_in_dim3A_11) -> (vector<16xf32>, vector<16xi32>, vector<16xf32>, vector<16xi32>)  : i32 {
      %mul3A_536 = arith.constant 16 : i32
      %mul3A_537 = arith.muli %scan3A_531, %mul3A_536 : i32
      %get3A_538 = arith.index_cast %mul3A_537 : i32 to index
      %get3A_539 = tpu.vector_load %arg9[%get3A_538] {strides = array<i32>} : memref<20000xf32, #tpu.memory_space<vmem>>, vector<16xf32>,
      %get3A_540 = arith.index_cast %mul3A_537 : i32 to index
      %get3A_541 = tpu.vector_load %arg10[%get3A_540] {strides = array<i32>} : memref<20000xf32, #tpu.memory_space<vmem>>, vector<16xf32>,
      %get3A_542 = arith.index_cast %mul3A_537 : i32 to index
      %get3A_543 = tpu.vector_load %arg11[%get3A_542] {strides = array<i32>} : memref<20000xf32, #tpu.memory_space<vmem>>, vector<16xf32>,
      %sub3A_544 = arith.subf %get3A_539, %get3A_2 : vector<16xf32>
      %sub3A_545 = arith.subf %get3A_541, %get3A_4 : vector<16xf32>
      %mul3A_546 = arith.mulf %sub3A_544, %sub3A_544 : vector<16xf32>
      %mul3A_547 = arith.mulf %sub3A_545, %sub3A_545 : vector<16xf32>
      %add3A_548 = arith.addf %mul3A_546, %mul3A_547 : vector<16xf32>
      %add3A_549 = vector.broadcast %mul3A_537 : i32 to vector<16xi32>
      %add3A_550 = arith.addi %iota3A, %add3A_549 : vector<16xi32>
      %lt3A = arith.cmpf olt, %add3A_548, %scan3A_532 : vector<16xf32>
      %select_n3A_551 = arith.select %lt3A, %add3A_548, %scan3A_532 : vector<16xi1>, vector<16xf32>
      %select_n3A_552 = arith.select %lt3A, %add3A_550, %scan3A_533 : vector<16xi1>, vector<16xi32>
      %gt3A_553 = arith.cmpf ogt, %get3A_543, %scan3A_534 : vector<16xf32>
      %select_n3A_554 = arith.select %gt3A_553, %get3A_543, %scan3A_534 : vector<16xi1>, vector<16xf32>
      %select_n3A_555 = arith.select %gt3A_553, %add3A_550, %scan3A_535 : vector<16xi1>, vector<16xi32>
      scf.yield %select_n3A_551, %select_n3A_552, %select_n3A_554, %select_n3A_555 : vector<16xf32>, vector<16xi32>, vector<16xf32>, vector<16xi32>
    }
    %scan3A_16 = arith.constant 1250 : i32
    %reduce_min3A = arith.constant true
    %reduce_min3A_17 = vector.broadcast %reduce_min3A : i1 to vector<16xi1>
    %reduce_min3A_18 = tpu.scan <min>, %scan3A_15#0 masked %reduce_min3A_17 : vector<16xf32>, vector<16xi1> -> vector<16xf32>
    %reduce_min3A_19 = vector.extract %reduce_min3A_18[15] : f32 from vector<16xf32>
    %eq3A = vector.broadcast %reduce_min3A_19 : f32 to vector<16xf32>
    %eq3A_20 = arith.cmpf oeq, %scan3A_15#0, %eq3A : vector<16xf32>
    %jit3A = arith.constant 2147483647 : i32
    %broadcast_in_dim3A_21 = vector.broadcast %jit3A : i32 to vector<16xi32>
    %select_n3A = arith.select %eq3A_20, %scan3A_15#1, %broadcast_in_dim3A_21 : vector<16xi1>, vector<16xi32>
    %reduce_min3A_22 = arith.constant true
    %reduce_min3A_23 = vector.broadcast %reduce_min3A_22 : i1 to vector<16xi1>
    %reduce_min3A_24 = arith.constant -2147483648 : i32
    %reduce_min3A_25 = vector.broadcast %reduce_min3A_24 : i32 to vector<16xi32>
    %reduce_min3A_26 = arith.xori %select_n3A, %reduce_min3A_25 : vector<16xi32>
    %reduce_min3A_27 = tpu.scan <min>, %reduce_min3A_26 masked %reduce_min3A_23 : vector<16xi32>, vector<16xi1> -> vector<16xi32>
    %reduce_min3A_28 = arith.xori %reduce_min3A_27, %reduce_min3A_25 : vector<16xi32>
    %reduce_min3A_29 = vector.extract %reduce_min3A_28[15] : i32 from vector<16xi32>
    %reduce_max3A = arith.constant true
    %reduce_max3A_30 = vector.broadcast %reduce_max3A : i1 to vector<16xi1>
    %reduce_max3A_31 = tpu.scan <max>, %scan3A_15#2 masked %reduce_max3A_30 : vector<16xf32>, vector<16xi1> -> vector<16xf32>
    %reduce_max3A_32 = vector.extract %reduce_max3A_31[15] : f32 from vector<16xf32>
    %eq3A_33 = vector.broadcast %reduce_max3A_32 : f32 to vector<16xf32>
    %eq3A_34 = arith.cmpf oeq, %scan3A_15#2, %eq3A_33 : vector<16xf32>
    %jit3A_35 = arith.constant 2147483647 : i32
    %broadcast_in_dim3A_36 = vector.broadcast %jit3A_35 : i32 to vector<16xi32>
    %select_n3A_37 = arith.select %eq3A_34, %scan3A_15#3, %broadcast_in_dim3A_36 : vector<16xi1>, vector<16xi32>
    %reduce_min3A_38 = arith.constant true
    %reduce_min3A_39 = vector.broadcast %reduce_min3A_38 : i1 to vector<16xi1>
    %reduce_min3A_40 = arith.constant -2147483648 : i32
    %reduce_min3A_41 = vector.broadcast %reduce_min3A_40 : i32 to vector<16xi32>
    %reduce_min3A_42 = arith.xori %select_n3A_37, %reduce_min3A_41 : vector<16xi32>
    %reduce_min3A_43 = tpu.scan <min>, %reduce_min3A_42 masked %reduce_min3A_39 : vector<16xi32>, vector<16xi1> -> vector<16xi32>
    %reduce_min3A_44 = arith.xori %reduce_min3A_43, %reduce_min3A_41 : vector<16xi32>
    %reduce_min3A_45 = vector.extract %reduce_min3A_44[15] : i32 from vector<16xi32>
    %broadcast_in_dim3A_46 = vector.broadcast %reduce_min3A_29 : i32 to vector<16xi32>
    %gather3A = tpu.vector_load_idx %arg11[%broadcast_in_dim3A_46] : memref<20000xf32, #tpu.memory_space<vmem>>[vector<16xi32>], vector<16xf32>,
    %reduce_max3A_47 = arith.constant true
    %reduce_max3A_48 = vector.broadcast %reduce_max3A_47 : i1 to vector<16xi1>
    %reduce_max3A_49 = tpu.scan <max>, %gather3A masked %reduce_max3A_48 : vector<16xf32>, vector<16xi1> -> vector<16xf32>
    %reduce_max3A_50 = vector.extract %reduce_max3A_49[15] : f32 from vector<16xf32>
    %broadcast_in_dim3A_51 = vector.broadcast %reduce_min3A_45 : i32 to vector<16xi32>
    %gather3A_52 = tpu.vector_load_idx %arg9[%broadcast_in_dim3A_51] : memref<20000xf32, #tpu.memory_space<vmem>>[vector<16xi32>], vector<16xf32>,
    %broadcast_in_dim3A_53 = vector.broadcast %reduce_min3A_45 : i32 to vector<16xi32>
    %gather3A_54 = tpu.vector_load_idx %arg10[%broadcast_in_dim3A_53] : memref<20000xf32, #tpu.memory_space<vmem>>[vector<16xi32>], vector<16xf32>,
    %sub3A = arith.subf %gather3A_52, %get3A_2 : vector<16xf32>
    %sub3A_55 = arith.subf %gather3A_52, %get3A_2 : vector<16xf32>
    %mul3A_56 = arith.mulf %sub3A, %sub3A_55 : vector<16xf32>
    %sub3A_57 = arith.subf %gather3A_54, %get3A_4 : vector<16xf32>
    %sub3A_58 = arith.subf %gather3A_54, %get3A_4 : vector<16xf32>
    %mul3A_59 = arith.mulf %sub3A_57, %sub3A_58 : vector<16xf32>
    %add3A_60 = arith.addf %mul3A_56, %mul3A_59 : vector<16xf32>
    %reduce_max3A_61 = arith.constant true
    %reduce_max3A_62 = vector.broadcast %reduce_max3A_61 : i1 to vector<16xi1>
    %reduce_max3A_63 = tpu.scan <max>, %add3A_60 masked %reduce_max3A_62 : vector<16xf32>, vector<16xi1> -> vector<16xf32>
    %reduce_max3A_64 = vector.extract %reduce_max3A_63[15] : f32 from vector<16xf32>
    %broadcast_in_dim3A_65 = arith.constant -1.000000e+30 : f32
    %broadcast_in_dim3A_66 = vector.broadcast %broadcast_in_dim3A_65 : f32 to vector<16xf32>
    %broadcast_in_dim3A_67 = arith.constant 0 : i32
    %broadcast_in_dim3A_68 = vector.broadcast %broadcast_in_dim3A_67 : i32 to vector<16xi32>
    %scan3A_69 = arith.constant 0 : i32
    %scan3A_70 = arith.constant 1250 : i32
    %scan3A_71 = arith.addi %scan3A_69, %scan3A_70 : i32
    %scan3A_72 = arith.constant 1 : i32
    %scan3A_73:2 = scf.for %scan3A_531 = %scan3A_69 to %scan3A_71 step %scan3A_72 iter_args(%scan3A_532 = %broadcast_in_dim3A_66, %scan3A_533 = %broadcast_in_dim3A_68) -> (vector<16xf32>, vector<16xi32>)  : i32 {
      %mul3A_534 = arith.constant 16 : i32
      %mul3A_535 = arith.muli %scan3A_531, %mul3A_534 : i32
      %get3A_536 = arith.index_cast %mul3A_535 : i32 to index
      %get3A_537 = tpu.vector_load %arg9[%get3A_536] {strides = array<i32>} : memref<20000xf32, #tpu.memory_space<vmem>>, vector<16xf32>,
      %get3A_538 = arith.index_cast %mul3A_535 : i32 to index
      %get3A_539 = tpu.vector_load %arg10[%get3A_538] {strides = array<i32>} : memref<20000xf32, #tpu.memory_space<vmem>>, vector<16xf32>,
      %get3A_540 = arith.index_cast %mul3A_535 : i32 to index
      %get3A_541 = tpu.vector_load %arg11[%get3A_540] {strides = array<i32>} : memref<20000xf32, #tpu.memory_space<vmem>>, vector<16xf32>,
      %sub3A_542 = arith.subf %get3A_537, %gather3A_52 : vector<16xf32>
      %sub3A_543 = arith.subf %get3A_539, %gather3A_54 : vector<16xf32>
      %mul3A_544 = arith.mulf %sub3A_542, %sub3A_542 : vector<16xf32>
      %mul3A_545 = arith.mulf %sub3A_543, %sub3A_543 : vector<16xf32>
      %add3A_546 = arith.addf %mul3A_544, %mul3A_545 : vector<16xf32>
      %le3A = arith.constant 4.000000e+00 : f32
      %le3A_547 = vector.broadcast %le3A : f32 to vector<16xf32>
      %le3A_548 = arith.cmpf ole, %add3A_546, %le3A_547 : vector<16xf32>
      %jit3A_549 = arith.constant -1.000000e+30 : f32
      %broadcast_in_dim3A_550 = vector.broadcast %jit3A_549 : f32 to vector<16xf32>
      %select_n3A_551 = arith.select %le3A_548, %broadcast_in_dim3A_550, %get3A_541 : vector<16xi1>, vector<16xf32>
      %swap3A_552 = arith.index_cast %mul3A_535 : i32 to index
      %swap3A_553 = tpu.vector_load %arg12[%swap3A_552] {strides = array<i32>} : memref<20000xf32, #tpu.memory_space<vmem>>, vector<16xf32>,
      tpu.vector_store %arg12[%swap3A_552], %select_n3A_551 {strides = array<i32>} : memref<20000xf32, #tpu.memory_space<vmem>>, vector<16xf32>,
      %add3A_554 = vector.broadcast %mul3A_535 : i32 to vector<16xi32>
      %add3A_555 = arith.addi %iota3A, %add3A_554 : vector<16xi32>
      %gt3A_556 = arith.cmpf ogt, %select_n3A_551, %scan3A_532 : vector<16xf32>
      %select_n3A_557 = arith.select %gt3A_556, %select_n3A_551, %scan3A_532 : vector<16xi1>, vector<16xf32>
      %select_n3A_558 = arith.select %gt3A_556, %add3A_555, %scan3A_533 : vector<16xi1>, vector<16xi32>
      scf.yield %select_n3A_557, %select_n3A_558 : vector<16xf32>, vector<16xi32>
    }
    %scan3A_74 = arith.constant 1250 : i32
    %reduce_max3A_75 = arith.constant true
    %reduce_max3A_76 = vector.broadcast %reduce_max3A_75 : i1 to vector<16xi1>
    %reduce_max3A_77 = tpu.scan <max>, %scan3A_73#0 masked %reduce_max3A_76 : vector<16xf32>, vector<16xi1> -> vector<16xf32>
    %reduce_max3A_78 = vector.extract %reduce_max3A_77[15] : f32 from vector<16xf32>
    %eq3A_79 = vector.broadcast %reduce_max3A_78 : f32 to vector<16xf32>
    %eq3A_80 = arith.cmpf oeq, %scan3A_73#0, %eq3A_79 : vector<16xf32>
    %jit3A_81 = arith.constant 2147483647 : i32
    %broadcast_in_dim3A_82 = vector.broadcast %jit3A_81 : i32 to vector<16xi32>
    %select_n3A_83 = arith.select %eq3A_80, %scan3A_73#1, %broadcast_in_dim3A_82 : vector<16xi1>, vector<16xi32>
    %reduce_min3A_84 = arith.constant true
    %reduce_min3A_85 = vector.broadcast %reduce_min3A_84 : i1 to vector<16xi1>
    %reduce_min3A_86 = arith.constant -2147483648 : i32
    %reduce_min3A_87 = vector.broadcast %reduce_min3A_86 : i32 to vector<16xi32>
    %reduce_min3A_88 = arith.xori %select_n3A_83, %reduce_min3A_87 : vector<16xi32>
    %reduce_min3A_89 = tpu.scan <min>, %reduce_min3A_88 masked %reduce_min3A_85 : vector<16xi32>, vector<16xi1> -> vector<16xi32>
    %reduce_min3A_90 = arith.xori %reduce_min3A_89, %reduce_min3A_87 : vector<16xi32>
    %reduce_min3A_91 = vector.extract %reduce_min3A_90[15] : i32 from vector<16xi32>
    %broadcast_in_dim3A_92 = vector.broadcast %reduce_min3A_91 : i32 to vector<16xi32>
    %gather3A_93 = tpu.vector_load_idx %arg9[%broadcast_in_dim3A_92] : memref<20000xf32, #tpu.memory_space<vmem>>[vector<16xi32>], vector<16xf32>,
    %broadcast_in_dim3A_94 = vector.broadcast %reduce_min3A_91 : i32 to vector<16xi32>
    %gather3A_95 = tpu.vector_load_idx %arg10[%broadcast_in_dim3A_94] : memref<20000xf32, #tpu.memory_space<vmem>>[vector<16xi32>], vector<16xf32>,
    %broadcast_in_dim3A_96 = arith.constant -1.000000e+30 : f32
    %broadcast_in_dim3A_97 = vector.broadcast %broadcast_in_dim3A_96 : f32 to vector<16xf32>
    %broadcast_in_dim3A_98 = arith.constant 0 : i32
    %broadcast_in_dim3A_99 = vector.broadcast %broadcast_in_dim3A_98 : i32 to vector<16xi32>
    %scan3A_100 = arith.constant 0 : i32
    %scan3A_101 = arith.constant 1250 : i32
    %scan3A_102 = arith.addi %scan3A_100, %scan3A_101 : i32
    %scan3A_103 = arith.constant 1 : i32
    %scan3A_104:2 = scf.for %scan3A_531 = %scan3A_100 to %scan3A_102 step %scan3A_103 iter_args(%scan3A_532 = %broadcast_in_dim3A_97, %scan3A_533 = %broadcast_in_dim3A_99) -> (vector<16xf32>, vector<16xi32>)  : i32 {
      %mul3A_534 = arith.constant 16 : i32
      %mul3A_535 = arith.muli %scan3A_531, %mul3A_534 : i32
      %get3A_536 = arith.index_cast %mul3A_535 : i32 to index
      %get3A_537 = tpu.vector_load %arg9[%get3A_536] {strides = array<i32>} : memref<20000xf32, #tpu.memory_space<vmem>>, vector<16xf32>,
      %get3A_538 = arith.index_cast %mul3A_535 : i32 to index
      %get3A_539 = tpu.vector_load %arg10[%get3A_538] {strides = array<i32>} : memref<20000xf32, #tpu.memory_space<vmem>>, vector<16xf32>,
      %get3A_540 = arith.index_cast %mul3A_535 : i32 to index
      %get3A_541 = tpu.vector_load %arg12[%get3A_540] {strides = array<i32>} : memref<20000xf32, #tpu.memory_space<vmem>>, vector<16xf32>,
      %sub3A_542 = arith.subf %get3A_537, %gather3A_93 : vector<16xf32>
      %sub3A_543 = arith.subf %get3A_539, %gather3A_95 : vector<16xf32>
      %mul3A_544 = arith.mulf %sub3A_542, %sub3A_542 : vector<16xf32>
      %mul3A_545 = arith.mulf %sub3A_543, %sub3A_543 : vector<16xf32>
      %add3A_546 = arith.addf %mul3A_544, %mul3A_545 : vector<16xf32>
      %le3A = arith.constant 4.000000e+00 : f32
      %le3A_547 = vector.broadcast %le3A : f32 to vector<16xf32>
      %le3A_548 = arith.cmpf ole, %add3A_546, %le3A_547 : vector<16xf32>
      %jit3A_549 = arith.constant -1.000000e+30 : f32
      %broadcast_in_dim3A_550 = vector.broadcast %jit3A_549 : f32 to vector<16xf32>
      %select_n3A_551 = arith.select %le3A_548, %broadcast_in_dim3A_550, %get3A_541 : vector<16xi1>, vector<16xf32>
      %swap3A_552 = arith.index_cast %mul3A_535 : i32 to index
      %swap3A_553 = tpu.vector_load %arg12[%swap3A_552] {strides = array<i32>} : memref<20000xf32, #tpu.memory_space<vmem>>, vector<16xf32>,
      tpu.vector_store %arg12[%swap3A_552], %select_n3A_551 {strides = array<i32>} : memref<20000xf32, #tpu.memory_space<vmem>>, vector<16xf32>,
      %add3A_554 = vector.broadcast %mul3A_535 : i32 to vector<16xi32>
      %add3A_555 = arith.addi %iota3A, %add3A_554 : vector<16xi32>
      %gt3A_556 = arith.cmpf ogt, %select_n3A_551, %scan3A_532 : vector<16xf32>
      %select_n3A_557 = arith.select %gt3A_556, %select_n3A_551, %scan3A_532 : vector<16xi1>, vector<16xf32>
      %select_n3A_558 = arith.select %gt3A_556, %add3A_555, %scan3A_533 : vector<16xi1>, vector<16xi32>
      scf.yield %select_n3A_557, %select_n3A_558 : vector<16xf32>, vector<16xi32>
    }
    %scan3A_105 = arith.constant 1250 : i32
    %reduce_max3A_106 = arith.constant true
    %reduce_max3A_107 = vector.broadcast %reduce_max3A_106 : i1 to vector<16xi1>
    %reduce_max3A_108 = tpu.scan <max>, %scan3A_104#0 masked %reduce_max3A_107 : vector<16xf32>, vector<16xi1> -> vector<16xf32>
    %reduce_max3A_109 = vector.extract %reduce_max3A_108[15] : f32 from vector<16xf32>
    %eq3A_110 = vector.broadcast %reduce_max3A_109 : f32 to vector<16xf32>
    %eq3A_111 = arith.cmpf oeq, %scan3A_104#0, %eq3A_110 : vector<16xf32>
    %jit3A_112 = arith.constant 2147483647 : i32
    %broadcast_in_dim3A_113 = vector.broadcast %jit3A_112 : i32 to vector<16xi32>
    %select_n3A_114 = arith.select %eq3A_111, %scan3A_104#1, %broadcast_in_dim3A_113 : vector<16xi1>, vector<16xi32>
    %reduce_min3A_115 = arith.constant true
    %reduce_min3A_116 = vector.broadcast %reduce_min3A_115 : i1 to vector<16xi1>
    %reduce_min3A_117 = arith.constant -2147483648 : i32
    %reduce_min3A_118 = vector.broadcast %reduce_min3A_117 : i32 to vector<16xi32>
    %reduce_min3A_119 = arith.xori %select_n3A_114, %reduce_min3A_118 : vector<16xi32>
    %reduce_min3A_120 = tpu.scan <min>, %reduce_min3A_119 masked %reduce_min3A_116 : vector<16xi32>, vector<16xi1> -> vector<16xi32>
    %reduce_min3A_121 = arith.xori %reduce_min3A_120, %reduce_min3A_118 : vector<16xi32>
    %reduce_min3A_122 = vector.extract %reduce_min3A_121[15] : i32 from vector<16xi32>
    %broadcast_in_dim3A_123 = vector.broadcast %reduce_min3A_122 : i32 to vector<16xi32>
    %gather3A_124 = tpu.vector_load_idx %arg9[%broadcast_in_dim3A_123] : memref<20000xf32, #tpu.memory_space<vmem>>[vector<16xi32>], vector<16xf32>,
    %broadcast_in_dim3A_125 = vector.broadcast %reduce_min3A_122 : i32 to vector<16xi32>
    %gather3A_126 = tpu.vector_load_idx %arg10[%broadcast_in_dim3A_125] : memref<20000xf32, #tpu.memory_space<vmem>>[vector<16xi32>], vector<16xf32>,
    %broadcast_in_dim3A_127 = arith.constant -1.000000e+30 : f32
    %broadcast_in_dim3A_128 = vector.broadcast %broadcast_in_dim3A_127 : f32 to vector<16xf32>
    %broadcast_in_dim3A_129 = arith.constant 0 : i32
    %broadcast_in_dim3A_130 = vector.broadcast %broadcast_in_dim3A_129 : i32 to vector<16xi32>
    %scan3A_131 = arith.constant 0 : i32
    %scan3A_132 = arith.constant 1250 : i32
    %scan3A_133 = arith.addi %scan3A_131, %scan3A_132 : i32
    %scan3A_134 = arith.constant 1 : i32
    %scan3A_135:2 = scf.for %scan3A_531 = %scan3A_131 to %scan3A_133 step %scan3A_134 iter_args(%scan3A_532 = %broadcast_in_dim3A_128, %scan3A_533 = %broadcast_in_dim3A_130) -> (vector<16xf32>, vector<16xi32>)  : i32 {
      %mul3A_534 = arith.constant 16 : i32
      %mul3A_535 = arith.muli %scan3A_531, %mul3A_534 : i32
      %get3A_536 = arith.index_cast %mul3A_535 : i32 to index
      %get3A_537 = tpu.vector_load %arg9[%get3A_536] {strides = array<i32>} : memref<20000xf32, #tpu.memory_space<vmem>>, vector<16xf32>,
      %get3A_538 = arith.index_cast %mul3A_535 : i32 to index
      %get3A_539 = tpu.vector_load %arg10[%get3A_538] {strides = array<i32>} : memref<20000xf32, #tpu.memory_space<vmem>>, vector<16xf32>,
      %get3A_540 = arith.index_cast %mul3A_535 : i32 to index
      %get3A_541 = tpu.vector_load %arg12[%get3A_540] {strides = array<i32>} : memref<20000xf32, #tpu.memory_space<vmem>>, vector<16xf32>,
      %sub3A_542 = arith.subf %get3A_537, %gather3A_124 : vector<16xf32>
      %sub3A_543 = arith.subf %get3A_539, %gather3A_126 : vector<16xf32>
      %mul3A_544 = arith.mulf %sub3A_542, %sub3A_542 : vector<16xf32>
      %mul3A_545 = arith.mulf %sub3A_543, %sub3A_543 : vector<16xf32>
      %add3A_546 = arith.addf %mul3A_544, %mul3A_545 : vector<16xf32>
      %le3A = arith.constant 4.000000e+00 : f32
      %le3A_547 = vector.broadcast %le3A : f32 to vector<16xf32>
      %le3A_548 = arith.cmpf ole, %add3A_546, %le3A_547 : vector<16xf32>
      %jit3A_549 = arith.constant -1.000000e+30 : f32
      %broadcast_in_dim3A_550 = vector.broadcast %jit3A_549 : f32 to vector<16xf32>
      %select_n3A_551 = arith.select %le3A_548, %broadcast_in_dim3A_550, %get3A_541 : vector<16xi1>, vector<16xf32>
      %swap3A_552 = arith.index_cast %mul3A_535 : i32 to index
      %swap3A_553 = tpu.vector_load %arg12[%swap3A_552] {strides = array<i32>} : memref<20000xf32, #tpu.memory_space<vmem>>, vector<16xf32>,
      tpu.vector_store %arg12[%swap3A_552], %select_n3A_551 {strides = array<i32>} : memref<20000xf32, #tpu.memory_space<vmem>>, vector<16xf32>,
      %add3A_554 = vector.broadcast %mul3A_535 : i32 to vector<16xi32>
      %add3A_555 = arith.addi %iota3A, %add3A_554 : vector<16xi32>
      %gt3A_556 = arith.cmpf ogt, %select_n3A_551, %scan3A_532 : vector<16xf32>
      %select_n3A_557 = arith.select %gt3A_556, %select_n3A_551, %scan3A_532 : vector<16xi1>, vector<16xf32>
      %select_n3A_558 = arith.select %gt3A_556, %add3A_555, %scan3A_533 : vector<16xi1>, vector<16xi32>
      scf.yield %select_n3A_557, %select_n3A_558 : vector<16xf32>, vector<16xi32>
    }
    %scan3A_136 = arith.constant 1250 : i32
    %reduce_max3A_137 = arith.constant true
    %reduce_max3A_138 = vector.broadcast %reduce_max3A_137 : i1 to vector<16xi1>
    %reduce_max3A_139 = tpu.scan <max>, %scan3A_135#0 masked %reduce_max3A_138 : vector<16xf32>, vector<16xi1> -> vector<16xf32>
    %reduce_max3A_140 = vector.extract %reduce_max3A_139[15] : f32 from vector<16xf32>
    %eq3A_141 = vector.broadcast %reduce_max3A_140 : f32 to vector<16xf32>
    %eq3A_142 = arith.cmpf oeq, %scan3A_135#0, %eq3A_141 : vector<16xf32>
    %jit3A_143 = arith.constant 2147483647 : i32
    %broadcast_in_dim3A_144 = vector.broadcast %jit3A_143 : i32 to vector<16xi32>
    %select_n3A_145 = arith.select %eq3A_142, %scan3A_135#1, %broadcast_in_dim3A_144 : vector<16xi1>, vector<16xi32>
    %reduce_min3A_146 = arith.constant true
    %reduce_min3A_147 = vector.broadcast %reduce_min3A_146 : i1 to vector<16xi1>
    %reduce_min3A_148 = arith.constant -2147483648 : i32
    %reduce_min3A_149 = vector.broadcast %reduce_min3A_148 : i32 to vector<16xi32>
    %reduce_min3A_150 = arith.xori %select_n3A_145, %reduce_min3A_149 : vector<16xi32>
    %reduce_min3A_151 = tpu.scan <min>, %reduce_min3A_150 masked %reduce_min3A_147 : vector<16xi32>, vector<16xi1> -> vector<16xi32>
    %reduce_min3A_152 = arith.xori %reduce_min3A_151, %reduce_min3A_149 : vector<16xi32>
    %reduce_min3A_153 = vector.extract %reduce_min3A_152[15] : i32 from vector<16xi32>
    %broadcast_in_dim3A_154 = vector.broadcast %reduce_min3A_153 : i32 to vector<16xi32>
    %gather3A_155 = tpu.vector_load_idx %arg9[%broadcast_in_dim3A_154] : memref<20000xf32, #tpu.memory_space<vmem>>[vector<16xi32>], vector<16xf32>,
    %broadcast_in_dim3A_156 = vector.broadcast %reduce_min3A_153 : i32 to vector<16xi32>
    %gather3A_157 = tpu.vector_load_idx %arg10[%broadcast_in_dim3A_156] : memref<20000xf32, #tpu.memory_space<vmem>>[vector<16xi32>], vector<16xf32>,
    %broadcast_in_dim3A_158 = arith.constant -1.000000e+30 : f32
    %broadcast_in_dim3A_159 = vector.broadcast %broadcast_in_dim3A_158 : f32 to vector<16xf32>
    %broadcast_in_dim3A_160 = arith.constant 0 : i32
    %broadcast_in_dim3A_161 = vector.broadcast %broadcast_in_dim3A_160 : i32 to vector<16xi32>
    %scan3A_162 = arith.constant 0 : i32
    %scan3A_163 = arith.constant 1250 : i32
    %scan3A_164 = arith.addi %scan3A_162, %scan3A_163 : i32
    %scan3A_165 = arith.constant 1 : i32
    %scan3A_166:2 = scf.for %scan3A_531 = %scan3A_162 to %scan3A_164 step %scan3A_165 iter_args(%scan3A_532 = %broadcast_in_dim3A_159, %scan3A_533 = %broadcast_in_dim3A_161) -> (vector<16xf32>, vector<16xi32>)  : i32 {
      %mul3A_534 = arith.constant 16 : i32
      %mul3A_535 = arith.muli %scan3A_531, %mul3A_534 : i32
      %get3A_536 = arith.index_cast %mul3A_535 : i32 to index
      %get3A_537 = tpu.vector_load %arg9[%get3A_536] {strides = array<i32>} : memref<20000xf32, #tpu.memory_space<vmem>>, vector<16xf32>,
      %get3A_538 = arith.index_cast %mul3A_535 : i32 to index
      %get3A_539 = tpu.vector_load %arg10[%get3A_538] {strides = array<i32>} : memref<20000xf32, #tpu.memory_space<vmem>>, vector<16xf32>,
      %get3A_540 = arith.index_cast %mul3A_535 : i32 to index
      %get3A_541 = tpu.vector_load %arg12[%get3A_540] {strides = array<i32>} : memref<20000xf32, #tpu.memory_space<vmem>>, vector<16xf32>,
      %sub3A_542 = arith.subf %get3A_537, %gather3A_155 : vector<16xf32>
      %sub3A_543 = arith.subf %get3A_539, %gather3A_157 : vector<16xf32>
      %mul3A_544 = arith.mulf %sub3A_542, %sub3A_542 : vector<16xf32>
      %mul3A_545 = arith.mulf %sub3A_543, %sub3A_543 : vector<16xf32>
      %add3A_546 = arith.addf %mul3A_544, %mul3A_545 : vector<16xf32>
      %le3A = arith.constant 4.000000e+00 : f32
      %le3A_547 = vector.broadcast %le3A : f32 to vector<16xf32>
      %le3A_548 = arith.cmpf ole, %add3A_546, %le3A_547 : vector<16xf32>
      %jit3A_549 = arith.constant -1.000000e+30 : f32
      %broadcast_in_dim3A_550 = vector.broadcast %jit3A_549 : f32 to vector<16xf32>
      %select_n3A_551 = arith.select %le3A_548, %broadcast_in_dim3A_550, %get3A_541 : vector<16xi1>, vector<16xf32>
      %swap3A_552 = arith.index_cast %mul3A_535 : i32 to index
      %swap3A_553 = tpu.vector_load %arg12[%swap3A_552] {strides = array<i32>} : memref<20000xf32, #tpu.memory_space<vmem>>, vector<16xf32>,
      tpu.vector_store %arg12[%swap3A_552], %select_n3A_551 {strides = array<i32>} : memref<20000xf32, #tpu.memory_space<vmem>>, vector<16xf32>,
      %add3A_554 = vector.broadcast %mul3A_535 : i32 to vector<16xi32>
      %add3A_555 = arith.addi %iota3A, %add3A_554 : vector<16xi32>
      %gt3A_556 = arith.cmpf ogt, %select_n3A_551, %scan3A_532 : vector<16xf32>
      %select_n3A_557 = arith.select %gt3A_556, %select_n3A_551, %scan3A_532 : vector<16xi1>, vector<16xf32>
      %select_n3A_558 = arith.select %gt3A_556, %add3A_555, %scan3A_533 : vector<16xi1>, vector<16xi32>
      scf.yield %select_n3A_557, %select_n3A_558 : vector<16xf32>, vector<16xi32>
    }
    %scan3A_167 = arith.constant 1250 : i32
    %reduce_max3A_168 = arith.constant true
    %reduce_max3A_169 = vector.broadcast %reduce_max3A_168 : i1 to vector<16xi1>
    %reduce_max3A_170 = tpu.scan <max>, %scan3A_166#0 masked %reduce_max3A_169 : vector<16xf32>, vector<16xi1> -> vector<16xf32>
    %reduce_max3A_171 = vector.extract %reduce_max3A_170[15] : f32 from vector<16xf32>
    %eq3A_172 = vector.broadcast %reduce_max3A_171 : f32 to vector<16xf32>
    %eq3A_173 = arith.cmpf oeq, %scan3A_166#0, %eq3A_172 : vector<16xf32>
    %jit3A_174 = arith.constant 2147483647 : i32
    %broadcast_in_dim3A_175 = vector.broadcast %jit3A_174 : i32 to vector<16xi32>
    %select_n3A_176 = arith.select %eq3A_173, %scan3A_166#1, %broadcast_in_dim3A_175 : vector<16xi1>, vector<16xi32>
    %reduce_min3A_177 = arith.constant true
    %reduce_min3A_178 = vector.broadcast %reduce_min3A_177 : i1 to vector<16xi1>
    %reduce_min3A_179 = arith.constant -2147483648 : i32
    %reduce_min3A_180 = vector.broadcast %reduce_min3A_179 : i32 to vector<16xi32>
    %reduce_min3A_181 = arith.xori %select_n3A_176, %reduce_min3A_180 : vector<16xi32>
    %reduce_min3A_182 = tpu.scan <min>, %reduce_min3A_181 masked %reduce_min3A_178 : vector<16xi32>, vector<16xi1> -> vector<16xi32>
    %reduce_min3A_183 = arith.xori %reduce_min3A_182, %reduce_min3A_180 : vector<16xi32>
    %reduce_min3A_184 = vector.extract %reduce_min3A_183[15] : i32 from vector<16xi32>
    %broadcast_in_dim3A_185 = vector.broadcast %reduce_min3A_184 : i32 to vector<16xi32>
    %gather3A_186 = tpu.vector_load_idx %arg9[%broadcast_in_dim3A_185] : memref<20000xf32, #tpu.memory_space<vmem>>[vector<16xi32>], vector<16xf32>,
    %broadcast_in_dim3A_187 = vector.broadcast %reduce_min3A_184 : i32 to vector<16xi32>
    %gather3A_188 = tpu.vector_load_idx %arg10[%broadcast_in_dim3A_187] : memref<20000xf32, #tpu.memory_space<vmem>>[vector<16xi32>], vector<16xf32>,
    %broadcast_in_dim3A_189 = arith.constant -1.000000e+30 : f32
    %broadcast_in_dim3A_190 = vector.broadcast %broadcast_in_dim3A_189 : f32 to vector<16xf32>
    %broadcast_in_dim3A_191 = arith.constant 0 : i32
    %broadcast_in_dim3A_192 = vector.broadcast %broadcast_in_dim3A_191 : i32 to vector<16xi32>
    %scan3A_193 = arith.constant 0 : i32
    %scan3A_194 = arith.constant 1250 : i32
    %scan3A_195 = arith.addi %scan3A_193, %scan3A_194 : i32
    %scan3A_196 = arith.constant 1 : i32
    %scan3A_197:2 = scf.for %scan3A_531 = %scan3A_193 to %scan3A_195 step %scan3A_196 iter_args(%scan3A_532 = %broadcast_in_dim3A_190, %scan3A_533 = %broadcast_in_dim3A_192) -> (vector<16xf32>, vector<16xi32>)  : i32 {
      %mul3A_534 = arith.constant 16 : i32
      %mul3A_535 = arith.muli %scan3A_531, %mul3A_534 : i32
      %get3A_536 = arith.index_cast %mul3A_535 : i32 to index
      %get3A_537 = tpu.vector_load %arg9[%get3A_536] {strides = array<i32>} : memref<20000xf32, #tpu.memory_space<vmem>>, vector<16xf32>,
      %get3A_538 = arith.index_cast %mul3A_535 : i32 to index
      %get3A_539 = tpu.vector_load %arg10[%get3A_538] {strides = array<i32>} : memref<20000xf32, #tpu.memory_space<vmem>>, vector<16xf32>,
      %get3A_540 = arith.index_cast %mul3A_535 : i32 to index
      %get3A_541 = tpu.vector_load %arg12[%get3A_540] {strides = array<i32>} : memref<20000xf32, #tpu.memory_space<vmem>>, vector<16xf32>,
      %sub3A_542 = arith.subf %get3A_537, %gather3A_186 : vector<16xf32>
      %sub3A_543 = arith.subf %get3A_539, %gather3A_188 : vector<16xf32>
      %mul3A_544 = arith.mulf %sub3A_542, %sub3A_542 : vector<16xf32>
      %mul3A_545 = arith.mulf %sub3A_543, %sub3A_543 : vector<16xf32>
      %add3A_546 = arith.addf %mul3A_544, %mul3A_545 : vector<16xf32>
      %le3A = arith.constant 4.000000e+00 : f32
      %le3A_547 = vector.broadcast %le3A : f32 to vector<16xf32>
      %le3A_548 = arith.cmpf ole, %add3A_546, %le3A_547 : vector<16xf32>
      %jit3A_549 = arith.constant -1.000000e+30 : f32
      %broadcast_in_dim3A_550 = vector.broadcast %jit3A_549 : f32 to vector<16xf32>
      %select_n3A_551 = arith.select %le3A_548, %broadcast_in_dim3A_550, %get3A_541 : vector<16xi1>, vector<16xf32>
      %add3A_552 = vector.broadcast %mul3A_535 : i32 to vector<16xi32>
      %add3A_553 = arith.addi %iota3A, %add3A_552 : vector<16xi32>
      %gt3A_554 = arith.cmpf ogt, %select_n3A_551, %scan3A_532 : vector<16xf32>
      %select_n3A_555 = arith.select %gt3A_554, %select_n3A_551, %scan3A_532 : vector<16xi1>, vector<16xf32>
      %select_n3A_556 = arith.select %gt3A_554, %add3A_553, %scan3A_533 : vector<16xi1>, vector<16xi32>
      scf.yield %select_n3A_555, %select_n3A_556 : vector<16xf32>, vector<16xi32>
    }
    %scan3A_198 = arith.constant 1250 : i32
    %reduce_max3A_199 = arith.constant true
    %reduce_max3A_200 = vector.broadcast %reduce_max3A_199 : i1 to vector<16xi1>
    %reduce_max3A_201 = tpu.scan <max>, %scan3A_197#0 masked %reduce_max3A_200 : vector<16xf32>, vector<16xi1> -> vector<16xf32>
    %reduce_max3A_202 = vector.extract %reduce_max3A_201[15] : f32 from vector<16xf32>
    %eq3A_203 = vector.broadcast %reduce_max3A_202 : f32 to vector<16xf32>
    %eq3A_204 = arith.cmpf oeq, %scan3A_197#0, %eq3A_203 : vector<16xf32>
    %jit3A_205 = arith.constant 2147483647 : i32
    %broadcast_in_dim3A_206 = vector.broadcast %jit3A_205 : i32 to vector<16xi32>
    %select_n3A_207 = arith.select %eq3A_204, %scan3A_197#1, %broadcast_in_dim3A_206 : vector<16xi1>, vector<16xi32>
    %reduce_min3A_208 = arith.constant true
    %reduce_min3A_209 = vector.broadcast %reduce_min3A_208 : i1 to vector<16xi1>
    %reduce_min3A_210 = arith.constant -2147483648 : i32
    %reduce_min3A_211 = vector.broadcast %reduce_min3A_210 : i32 to vector<16xi32>
    %reduce_min3A_212 = arith.xori %select_n3A_207, %reduce_min3A_211 : vector<16xi32>
    %reduce_min3A_213 = tpu.scan <min>, %reduce_min3A_212 masked %reduce_min3A_209 : vector<16xi32>, vector<16xi1> -> vector<16xi32>
    %reduce_min3A_214 = arith.xori %reduce_min3A_213, %reduce_min3A_211 : vector<16xi32>
    %reduce_min3A_215 = vector.extract %reduce_min3A_214[15] : i32 from vector<16xi32>
    %gt3A = arith.constant -1.000000e+29 : f32
    %gt3A_216 = arith.cmpf ogt, %reduce_max3A_32, %gt3A : f32
    %gt3A_217 = arith.constant -1.000000e+29 : f32
    %gt3A_218 = arith.cmpf ogt, %reduce_max3A_78, %gt3A_217 : f32
    %gt3A_219 = arith.constant -1.000000e+29 : f32
    %gt3A_220 = arith.cmpf ogt, %reduce_max3A_109, %gt3A_219 : f32
    %gt3A_221 = arith.constant -1.000000e+29 : f32
    %gt3A_222 = arith.cmpf ogt, %reduce_max3A_140, %gt3A_221 : f32
    %gt3A_223 = arith.constant -1.000000e+29 : f32
    %gt3A_224 = arith.cmpf ogt, %reduce_max3A_171, %gt3A_223 : f32
    %gt3A_225 = arith.constant -1.000000e+29 : f32
    %gt3A_226 = arith.cmpf ogt, %reduce_max3A_202, %gt3A_225 : f32
    %jit3A_227 = arith.constant 1.000000e+00 : f32
    %jit3A_228 = arith.constant 0.000000e+00 : f32
    %select_n3A_229 = arith.select %gt3A_216, %jit3A_227, %jit3A_228 : f32
    %jit3A_230 = arith.constant 1.000000e+00 : f32
    %jit3A_231 = arith.constant 0.000000e+00 : f32
    %select_n3A_232 = arith.select %gt3A_218, %jit3A_230, %jit3A_231 : f32
    %jit3A_233 = arith.constant 1.000000e+00 : f32
    %jit3A_234 = arith.constant 0.000000e+00 : f32
    %select_n3A_235 = arith.select %gt3A_220, %jit3A_233, %jit3A_234 : f32
    %jit3A_236 = arith.constant 1.000000e+00 : f32
    %jit3A_237 = arith.constant 0.000000e+00 : f32
    %select_n3A_238 = arith.select %gt3A_222, %jit3A_236, %jit3A_237 : f32
    %jit3A_239 = arith.constant 1.000000e+00 : f32
    %jit3A_240 = arith.constant 0.000000e+00 : f32
    %select_n3A_241 = arith.select %gt3A_224, %jit3A_239, %jit3A_240 : f32
    %jit3A_242 = arith.constant 1.000000e+00 : f32
    %jit3A_243 = arith.constant 0.000000e+00 : f32
    %select_n3A_244 = arith.select %gt3A_226, %jit3A_242, %jit3A_243 : f32
    %broadcast_in_dim3A_245 = arith.constant 0.000000e+00 : f32
    %broadcast_in_dim3A_246 = vector.broadcast %broadcast_in_dim3A_245 : f32 to vector<16xf32>
    %eq3A_247 = arith.constant 0 : i32
    %eq3A_248 = vector.broadcast %eq3A_247 : i32 to vector<16xi32>
    %eq3A_249 = arith.cmpi eq, %iota3A, %eq3A_248 : vector<16xi32>
    %broadcast_in_dim3A_250 = vector.broadcast %reduce_max3A_50 : f32 to vector<16xf32>
    %select_n3A_251 = arith.select %eq3A_249, %broadcast_in_dim3A_250, %broadcast_in_dim3A_246 : vector<16xi1>, vector<16xf32>
    %eq3A_252 = arith.constant 1 : i32
    %eq3A_253 = vector.broadcast %eq3A_252 : i32 to vector<16xi32>
    %eq3A_254 = arith.cmpi eq, %iota3A, %eq3A_253 : vector<16xi32>
    %broadcast_in_dim3A_255 = vector.broadcast %reduce_max3A_64 : f32 to vector<16xf32>
    %select_n3A_256 = arith.select %eq3A_254, %broadcast_in_dim3A_255, %select_n3A_251 : vector<16xi1>, vector<16xf32>
    %eq3A_257 = arith.constant 2 : i32
    %eq3A_258 = vector.broadcast %eq3A_257 : i32 to vector<16xi32>
    %eq3A_259 = arith.cmpi eq, %iota3A, %eq3A_258 : vector<16xi32>
    %broadcast_in_dim3A_260 = vector.broadcast %reduce_max3A_32 : f32 to vector<16xf32>
    %select_n3A_261 = arith.select %eq3A_259, %broadcast_in_dim3A_260, %select_n3A_256 : vector<16xi1>, vector<16xf32>
    %eq3A_262 = arith.constant 3 : i32
    %eq3A_263 = vector.broadcast %eq3A_262 : i32 to vector<16xi32>
    %eq3A_264 = arith.cmpi eq, %iota3A, %eq3A_263 : vector<16xi32>
    %broadcast_in_dim3A_265 = vector.broadcast %reduce_max3A_78 : f32 to vector<16xf32>
    %select_n3A_266 = arith.select %eq3A_264, %broadcast_in_dim3A_265, %select_n3A_261 : vector<16xi1>, vector<16xf32>
    %eq3A_267 = arith.constant 4 : i32
    %eq3A_268 = vector.broadcast %eq3A_267 : i32 to vector<16xi32>
    %eq3A_269 = arith.cmpi eq, %iota3A, %eq3A_268 : vector<16xi32>
    %broadcast_in_dim3A_270 = vector.broadcast %reduce_max3A_109 : f32 to vector<16xf32>
    %select_n3A_271 = arith.select %eq3A_269, %broadcast_in_dim3A_270, %select_n3A_266 : vector<16xi1>, vector<16xf32>
    %eq3A_272 = arith.constant 5 : i32
    %eq3A_273 = vector.broadcast %eq3A_272 : i32 to vector<16xi32>
    %eq3A_274 = arith.cmpi eq, %iota3A, %eq3A_273 : vector<16xi32>
    %broadcast_in_dim3A_275 = vector.broadcast %reduce_max3A_140 : f32 to vector<16xf32>
    %select_n3A_276 = arith.select %eq3A_274, %broadcast_in_dim3A_275, %select_n3A_271 : vector<16xi1>, vector<16xf32>
    %eq3A_277 = arith.constant 6 : i32
    %eq3A_278 = vector.broadcast %eq3A_277 : i32 to vector<16xi32>
    %eq3A_279 = arith.cmpi eq, %iota3A, %eq3A_278 : vector<16xi32>
    %broadcast_in_dim3A_280 = vector.broadcast %reduce_max3A_171 : f32 to vector<16xf32>
    %select_n3A_281 = arith.select %eq3A_279, %broadcast_in_dim3A_280, %select_n3A_276 : vector<16xi1>, vector<16xf32>
    %eq3A_282 = arith.constant 7 : i32
    %eq3A_283 = vector.broadcast %eq3A_282 : i32 to vector<16xi32>
    %eq3A_284 = arith.cmpi eq, %iota3A, %eq3A_283 : vector<16xi32>
    %broadcast_in_dim3A_285 = vector.broadcast %reduce_max3A_202 : f32 to vector<16xf32>
    %select_n3A_286 = arith.select %eq3A_284, %broadcast_in_dim3A_285, %select_n3A_281 : vector<16xi1>, vector<16xf32>
    %eq3A_287 = arith.constant 8 : i32
    %eq3A_288 = vector.broadcast %eq3A_287 : i32 to vector<16xi32>
    %eq3A_289 = arith.cmpi eq, %iota3A, %eq3A_288 : vector<16xi32>
    %broadcast_in_dim3A_290 = vector.broadcast %select_n3A_229 : f32 to vector<16xf32>
    %select_n3A_291 = arith.select %eq3A_289, %broadcast_in_dim3A_290, %select_n3A_286 : vector<16xi1>, vector<16xf32>
    %eq3A_292 = arith.constant 9 : i32
    %eq3A_293 = vector.broadcast %eq3A_292 : i32 to vector<16xi32>
    %eq3A_294 = arith.cmpi eq, %iota3A, %eq3A_293 : vector<16xi32>
    %broadcast_in_dim3A_295 = vector.broadcast %select_n3A_232 : f32 to vector<16xf32>
    %select_n3A_296 = arith.select %eq3A_294, %broadcast_in_dim3A_295, %select_n3A_291 : vector<16xi1>, vector<16xf32>
    %eq3A_297 = arith.constant 10 : i32
    %eq3A_298 = vector.broadcast %eq3A_297 : i32 to vector<16xi32>
    %eq3A_299 = arith.cmpi eq, %iota3A, %eq3A_298 : vector<16xi32>
    %broadcast_in_dim3A_300 = vector.broadcast %select_n3A_235 : f32 to vector<16xf32>
    %select_n3A_301 = arith.select %eq3A_299, %broadcast_in_dim3A_300, %select_n3A_296 : vector<16xi1>, vector<16xf32>
    %eq3A_302 = arith.constant 11 : i32
    %eq3A_303 = vector.broadcast %eq3A_302 : i32 to vector<16xi32>
    %eq3A_304 = arith.cmpi eq, %iota3A, %eq3A_303 : vector<16xi32>
    %broadcast_in_dim3A_305 = vector.broadcast %select_n3A_238 : f32 to vector<16xf32>
    %select_n3A_306 = arith.select %eq3A_304, %broadcast_in_dim3A_305, %select_n3A_301 : vector<16xi1>, vector<16xf32>
    %eq3A_307 = arith.constant 12 : i32
    %eq3A_308 = vector.broadcast %eq3A_307 : i32 to vector<16xi32>
    %eq3A_309 = arith.cmpi eq, %iota3A, %eq3A_308 : vector<16xi32>
    %broadcast_in_dim3A_310 = vector.broadcast %select_n3A_241 : f32 to vector<16xf32>
    %select_n3A_311 = arith.select %eq3A_309, %broadcast_in_dim3A_310, %select_n3A_306 : vector<16xi1>, vector<16xf32>
    %eq3A_312 = arith.constant 13 : i32
    %eq3A_313 = vector.broadcast %eq3A_312 : i32 to vector<16xi32>
    %eq3A_314 = arith.cmpi eq, %iota3A, %eq3A_313 : vector<16xi32>
    %broadcast_in_dim3A_315 = vector.broadcast %select_n3A_244 : f32 to vector<16xf32>
    %select_n3A_316 = arith.select %eq3A_314, %broadcast_in_dim3A_315, %select_n3A_311 : vector<16xi1>, vector<16xf32>
    %swap3A = arith.constant 0 : index
    %swap3A_317 = tpu.vector_load %arg15[%swap3A] {strides = array<i32>} : memref<16xf32, #tpu.memory_space<vmem>>, vector<16xf32>,
    tpu.vector_store %arg15[%swap3A], %select_n3A_316 {strides = array<i32>} : memref<16xf32, #tpu.memory_space<vmem>>, vector<16xf32>,
    "tpu.region"() ({
      %run_scoped3A_531 = tpu.sem_alloc : memref<!tpu.dma_semaphore, #tpu.memory_space<semaphore_mem>>
      %dma_start3A_532 = arith.constant 0 : i32
      %dma_start3A_533 = tpu.memref_slice %arg7[%add3A, %dma_start3A_532] : memref<32x16xf32, #tpu.memory_space<hbm>> -> memref<1x16xf32, #tpu.memory_space<hbm>>
      %dma_start3A_534 = tpu.memref_squeeze %dma_start3A_533 : memref<1x16xf32, #tpu.memory_space<hbm>> -> memref<16xf32, #tpu.memory_space<hbm>>
      %dma_start3A_535 = arith.constant 0 : i32
      %dma_start3A_536 = tpu.memref_slice %arg7[%add3A, %dma_start3A_535] : memref<32x16xf32, #tpu.memory_space<hbm>> -> memref<1x16xf32, #tpu.memory_space<hbm>>
      %dma_start3A_537 = tpu.memref_squeeze %dma_start3A_536 : memref<1x16xf32, #tpu.memory_space<hbm>> -> memref<16xf32, #tpu.memory_space<hbm>>
      tpu.enqueue_dma source(%arg15 : memref<16xf32, #tpu.memory_space<vmem>>) target(%dma_start3A_537 : memref<16xf32, #tpu.memory_space<hbm>>) target_semaphore(%run_scoped3A_531 : memref<!tpu.dma_semaphore, #tpu.memory_space<semaphore_mem>>)
      %dma_wait3A_538 = arith.constant 0 : i32
      %dma_wait3A_539 = tpu.memref_slice %arg7[%add3A, %dma_wait3A_538] : memref<32x16xf32, #tpu.memory_space<hbm>> -> memref<1x16xf32, #tpu.memory_space<hbm>>
      %dma_wait3A_540 = tpu.memref_squeeze %dma_wait3A_539 : memref<1x16xf32, #tpu.memory_space<hbm>> -> memref<16xf32, #tpu.memory_space<hbm>>
      %dma_wait3A_541 = arith.constant 0 : i32
      %dma_wait3A_542 = tpu.memref_slice %arg7[%add3A, %dma_wait3A_541] : memref<32x16xf32, #tpu.memory_space<hbm>> -> memref<1x16xf32, #tpu.memory_space<hbm>>
      %dma_wait3A_543 = tpu.memref_squeeze %dma_wait3A_542 : memref<1x16xf32, #tpu.memory_space<hbm>> -> memref<16xf32, #tpu.memory_space<hbm>>
      tpu.wait_dma2 semaphore(%run_scoped3A_531 : memref<!tpu.dma_semaphore, #tpu.memory_space<semaphore_mem>>) src(%arg15 : memref<16xf32, #tpu.memory_space<vmem>>) dst(%dma_wait3A_543 : memref<16xf32, #tpu.memory_space<hbm>>)
      tpu.yield
    }) : () -> ()
    %jit3A_318 = arith.constant 0 : i32
    %select_n3A_319 = arith.select %gt3A_216, %reduce_min3A_45, %jit3A_318 : i32
    %jit3A_320 = arith.constant 0 : i32
    %select_n3A_321 = arith.select %gt3A_218, %reduce_min3A_91, %jit3A_320 : i32
    %jit3A_322 = arith.constant 0 : i32
    %select_n3A_323 = arith.select %gt3A_220, %reduce_min3A_122, %jit3A_322 : i32
    %jit3A_324 = arith.constant 0 : i32
    %select_n3A_325 = arith.select %gt3A_222, %reduce_min3A_153, %jit3A_324 : i32
    %jit3A_326 = arith.constant 0 : i32
    %select_n3A_327 = arith.select %gt3A_224, %reduce_min3A_184, %jit3A_326 : i32
    %jit3A_328 = arith.constant 0 : i32
    %select_n3A_329 = arith.select %gt3A_226, %reduce_min3A_215, %jit3A_328 : i32
    %mul3A_330 = arith.constant 20000 : i32
    %mul3A_331 = arith.muli %add3A, %mul3A_330 : i32
    %add3A_332 = arith.addi %reduce_min3A_29, %mul3A_331 : i32
    %dma_start3A = arith.constant 0 : i32
    %dma_start3A_333 = arith.constant 0 : i32
    %dma_start3A_334 = tpu.memref_slice %arg16[%dma_start3A, %dma_start3A_333] : memref<8x60xf32, #tpu.memory_space<vmem>> -> memref<1x60xf32, #tpu.memory_space<vmem>>
    %dma_start3A_335 = tpu.memref_squeeze %dma_start3A_334 : memref<1x60xf32, #tpu.memory_space<vmem>> -> memref<60xf32, #tpu.memory_space<vmem>>
    %dma_start3A_336 = arith.constant 0 : i32
    %dma_start3A_337 = tpu.memref_slice %arg6[%add3A_332, %dma_start3A_336] : memref<640000x60xf32, #tpu.memory_space<hbm>> -> memref<1x60xf32, #tpu.memory_space<hbm>>
    %dma_start3A_338 = tpu.memref_squeeze %dma_start3A_337 : memref<1x60xf32, #tpu.memory_space<hbm>> -> memref<60xf32, #tpu.memory_space<hbm>>
    %dma_start3A_339 = arith.constant 0 : i32
    %dma_start3A_340 = tpu.memref_slice %arg16[%dma_start3A, %dma_start3A_339] : memref<8x60xf32, #tpu.memory_space<vmem>> -> memref<1x60xf32, #tpu.memory_space<vmem>>
    %dma_start3A_341 = tpu.memref_squeeze %dma_start3A_340 : memref<1x60xf32, #tpu.memory_space<vmem>> -> memref<60xf32, #tpu.memory_space<vmem>>
    %dma_start3A_342 = arith.constant 0 : i32
    %dma_start3A_343 = tpu.memref_slice %arg6[%add3A_332, %dma_start3A_342] : memref<640000x60xf32, #tpu.memory_space<hbm>> -> memref<1x60xf32, #tpu.memory_space<hbm>>
    %dma_start3A_344 = tpu.memref_squeeze %dma_start3A_343 : memref<1x60xf32, #tpu.memory_space<hbm>> -> memref<60xf32, #tpu.memory_space<hbm>>
    tpu.enqueue_dma source(%dma_start3A_344 : memref<60xf32, #tpu.memory_space<hbm>>) target(%dma_start3A_341 : memref<60xf32, #tpu.memory_space<vmem>>) target_semaphore(%arg17 : memref<!tpu.dma_semaphore, #tpu.memory_space<semaphore_mem>>)
    %mul3A_345 = arith.constant 20000 : i32
    %mul3A_346 = arith.muli %add3A, %mul3A_345 : i32
    %add3A_347 = arith.addi %select_n3A_319, %mul3A_346 : i32
    %dma_start3A_348 = arith.constant 1 : i32
    %dma_start3A_349 = arith.constant 0 : i32
    %dma_start3A_350 = tpu.memref_slice %arg16[%dma_start3A_348, %dma_start3A_349] : memref<8x60xf32, #tpu.memory_space<vmem>> -> memref<1x60xf32, #tpu.memory_space<vmem>>
    %dma_start3A_351 = tpu.memref_squeeze %dma_start3A_350 : memref<1x60xf32, #tpu.memory_space<vmem>> -> memref<60xf32, #tpu.memory_space<vmem>>
    %dma_start3A_352 = arith.constant 0 : i32
    %dma_start3A_353 = tpu.memref_slice %arg6[%add3A_347, %dma_start3A_352] : memref<640000x60xf32, #tpu.memory_space<hbm>> -> memref<1x60xf32, #tpu.memory_space<hbm>>
    %dma_start3A_354 = tpu.memref_squeeze %dma_start3A_353 : memref<1x60xf32, #tpu.memory_space<hbm>> -> memref<60xf32, #tpu.memory_space<hbm>>
    %dma_start3A_355 = arith.constant 0 : i32
    %dma_start3A_356 = tpu.memref_slice %arg16[%dma_start3A_348, %dma_start3A_355] : memref<8x60xf32, #tpu.memory_space<vmem>> -> memref<1x60xf32, #tpu.memory_space<vmem>>
    %dma_start3A_357 = tpu.memref_squeeze %dma_start3A_356 : memref<1x60xf32, #tpu.memory_space<vmem>> -> memref<60xf32, #tpu.memory_space<vmem>>
    %dma_start3A_358 = arith.constant 0 : i32
    %dma_start3A_359 = tpu.memref_slice %arg6[%add3A_347, %dma_start3A_358] : memref<640000x60xf32, #tpu.memory_space<hbm>> -> memref<1x60xf32, #tpu.memory_space<hbm>>
    %dma_start3A_360 = tpu.memref_squeeze %dma_start3A_359 : memref<1x60xf32, #tpu.memory_space<hbm>> -> memref<60xf32, #tpu.memory_space<hbm>>
    tpu.enqueue_dma source(%dma_start3A_360 : memref<60xf32, #tpu.memory_space<hbm>>) target(%dma_start3A_357 : memref<60xf32, #tpu.memory_space<vmem>>) target_semaphore(%arg17 : memref<!tpu.dma_semaphore, #tpu.memory_space<semaphore_mem>>)
    %mul3A_361 = arith.constant 20000 : i32
    %mul3A_362 = arith.muli %add3A, %mul3A_361 : i32
    %add3A_363 = arith.addi %select_n3A_321, %mul3A_362 : i32
    %dma_start3A_364 = arith.constant 2 : i32
    %dma_start3A_365 = arith.constant 0 : i32
    %dma_start3A_366 = tpu.memref_slice %arg16[%dma_start3A_364, %dma_start3A_365] : memref<8x60xf32, #tpu.memory_space<vmem>> -> memref<1x60xf32, #tpu.memory_space<vmem>>
    %dma_start3A_367 = tpu.memref_squeeze %dma_start3A_366 : memref<1x60xf32, #tpu.memory_space<vmem>> -> memref<60xf32, #tpu.memory_space<vmem>>
    %dma_start3A_368 = arith.constant 0 : i32
    %dma_start3A_369 = tpu.memref_slice %arg6[%add3A_363, %dma_start3A_368] : memref<640000x60xf32, #tpu.memory_space<hbm>> -> memref<1x60xf32, #tpu.memory_space<hbm>>
    %dma_start3A_370 = tpu.memref_squeeze %dma_start3A_369 : memref<1x60xf32, #tpu.memory_space<hbm>> -> memref<60xf32, #tpu.memory_space<hbm>>
    %dma_start3A_371 = arith.constant 0 : i32
    %dma_start3A_372 = tpu.memref_slice %arg16[%dma_start3A_364, %dma_start3A_371] : memref<8x60xf32, #tpu.memory_space<vmem>> -> memref<1x60xf32, #tpu.memory_space<vmem>>
    %dma_start3A_373 = tpu.memref_squeeze %dma_start3A_372 : memref<1x60xf32, #tpu.memory_space<vmem>> -> memref<60xf32, #tpu.memory_space<vmem>>
    %dma_start3A_374 = arith.constant 0 : i32
    %dma_start3A_375 = tpu.memref_slice %arg6[%add3A_363, %dma_start3A_374] : memref<640000x60xf32, #tpu.memory_space<hbm>> -> memref<1x60xf32, #tpu.memory_space<hbm>>
    %dma_start3A_376 = tpu.memref_squeeze %dma_start3A_375 : memref<1x60xf32, #tpu.memory_space<hbm>> -> memref<60xf32, #tpu.memory_space<hbm>>
    tpu.enqueue_dma source(%dma_start3A_376 : memref<60xf32, #tpu.memory_space<hbm>>) target(%dma_start3A_373 : memref<60xf32, #tpu.memory_space<vmem>>) target_semaphore(%arg17 : memref<!tpu.dma_semaphore, #tpu.memory_space<semaphore_mem>>)
    %mul3A_377 = arith.constant 20000 : i32
    %mul3A_378 = arith.muli %add3A, %mul3A_377 : i32
    %add3A_379 = arith.addi %select_n3A_323, %mul3A_378 : i32
    %dma_start3A_380 = arith.constant 3 : i32
    %dma_start3A_381 = arith.constant 0 : i32
    %dma_start3A_382 = tpu.memref_slice %arg16[%dma_start3A_380, %dma_start3A_381] : memref<8x60xf32, #tpu.memory_space<vmem>> -> memref<1x60xf32, #tpu.memory_space<vmem>>
    %dma_start3A_383 = tpu.memref_squeeze %dma_start3A_382 : memref<1x60xf32, #tpu.memory_space<vmem>> -> memref<60xf32, #tpu.memory_space<vmem>>
    %dma_start3A_384 = arith.constant 0 : i32
    %dma_start3A_385 = tpu.memref_slice %arg6[%add3A_379, %dma_start3A_384] : memref<640000x60xf32, #tpu.memory_space<hbm>> -> memref<1x60xf32, #tpu.memory_space<hbm>>
    %dma_start3A_386 = tpu.memref_squeeze %dma_start3A_385 : memref<1x60xf32, #tpu.memory_space<hbm>> -> memref<60xf32, #tpu.memory_space<hbm>>
    %dma_start3A_387 = arith.constant 0 : i32
    %dma_start3A_388 = tpu.memref_slice %arg16[%dma_start3A_380, %dma_start3A_387] : memref<8x60xf32, #tpu.memory_space<vmem>> -> memref<1x60xf32, #tpu.memory_space<vmem>>
    %dma_start3A_389 = tpu.memref_squeeze %dma_start3A_388 : memref<1x60xf32, #tpu.memory_space<vmem>> -> memref<60xf32, #tpu.memory_space<vmem>>
    %dma_start3A_390 = arith.constant 0 : i32
    %dma_start3A_391 = tpu.memref_slice %arg6[%add3A_379, %dma_start3A_390] : memref<640000x60xf32, #tpu.memory_space<hbm>> -> memref<1x60xf32, #tpu.memory_space<hbm>>
    %dma_start3A_392 = tpu.memref_squeeze %dma_start3A_391 : memref<1x60xf32, #tpu.memory_space<hbm>> -> memref<60xf32, #tpu.memory_space<hbm>>
    tpu.enqueue_dma source(%dma_start3A_392 : memref<60xf32, #tpu.memory_space<hbm>>) target(%dma_start3A_389 : memref<60xf32, #tpu.memory_space<vmem>>) target_semaphore(%arg17 : memref<!tpu.dma_semaphore, #tpu.memory_space<semaphore_mem>>)
    %mul3A_393 = arith.constant 20000 : i32
    %mul3A_394 = arith.muli %add3A, %mul3A_393 : i32
    %add3A_395 = arith.addi %select_n3A_325, %mul3A_394 : i32
    %dma_start3A_396 = arith.constant 4 : i32
    %dma_start3A_397 = arith.constant 0 : i32
    %dma_start3A_398 = tpu.memref_slice %arg16[%dma_start3A_396, %dma_start3A_397] : memref<8x60xf32, #tpu.memory_space<vmem>> -> memref<1x60xf32, #tpu.memory_space<vmem>>
    %dma_start3A_399 = tpu.memref_squeeze %dma_start3A_398 : memref<1x60xf32, #tpu.memory_space<vmem>> -> memref<60xf32, #tpu.memory_space<vmem>>
    %dma_start3A_400 = arith.constant 0 : i32
    %dma_start3A_401 = tpu.memref_slice %arg6[%add3A_395, %dma_start3A_400] : memref<640000x60xf32, #tpu.memory_space<hbm>> -> memref<1x60xf32, #tpu.memory_space<hbm>>
    %dma_start3A_402 = tpu.memref_squeeze %dma_start3A_401 : memref<1x60xf32, #tpu.memory_space<hbm>> -> memref<60xf32, #tpu.memory_space<hbm>>
    %dma_start3A_403 = arith.constant 0 : i32
    %dma_start3A_404 = tpu.memref_slice %arg16[%dma_start3A_396, %dma_start3A_403] : memref<8x60xf32, #tpu.memory_space<vmem>> -> memref<1x60xf32, #tpu.memory_space<vmem>>
    %dma_start3A_405 = tpu.memref_squeeze %dma_start3A_404 : memref<1x60xf32, #tpu.memory_space<vmem>> -> memref<60xf32, #tpu.memory_space<vmem>>
    %dma_start3A_406 = arith.constant 0 : i32
    %dma_start3A_407 = tpu.memref_slice %arg6[%add3A_395, %dma_start3A_406] : memref<640000x60xf32, #tpu.memory_space<hbm>> -> memref<1x60xf32, #tpu.memory_space<hbm>>
    %dma_start3A_408 = tpu.memref_squeeze %dma_start3A_407 : memref<1x60xf32, #tpu.memory_space<hbm>> -> memref<60xf32, #tpu.memory_space<hbm>>
    tpu.enqueue_dma source(%dma_start3A_408 : memref<60xf32, #tpu.memory_space<hbm>>) target(%dma_start3A_405 : memref<60xf32, #tpu.memory_space<vmem>>) target_semaphore(%arg17 : memref<!tpu.dma_semaphore, #tpu.memory_space<semaphore_mem>>)
    %mul3A_409 = arith.constant 20000 : i32
    %mul3A_410 = arith.muli %add3A, %mul3A_409 : i32
    %add3A_411 = arith.addi %select_n3A_327, %mul3A_410 : i32
    %dma_start3A_412 = arith.constant 5 : i32
    %dma_start3A_413 = arith.constant 0 : i32
    %dma_start3A_414 = tpu.memref_slice %arg16[%dma_start3A_412, %dma_start3A_413] : memref<8x60xf32, #tpu.memory_space<vmem>> -> memref<1x60xf32, #tpu.memory_space<vmem>>
    %dma_start3A_415 = tpu.memref_squeeze %dma_start3A_414 : memref<1x60xf32, #tpu.memory_space<vmem>> -> memref<60xf32, #tpu.memory_space<vmem>>
    %dma_start3A_416 = arith.constant 0 : i32
    %dma_start3A_417 = tpu.memref_slice %arg6[%add3A_411, %dma_start3A_416] : memref<640000x60xf32, #tpu.memory_space<hbm>> -> memref<1x60xf32, #tpu.memory_space<hbm>>
    %dma_start3A_418 = tpu.memref_squeeze %dma_start3A_417 : memref<1x60xf32, #tpu.memory_space<hbm>> -> memref<60xf32, #tpu.memory_space<hbm>>
    %dma_start3A_419 = arith.constant 0 : i32
    %dma_start3A_420 = tpu.memref_slice %arg16[%dma_start3A_412, %dma_start3A_419] : memref<8x60xf32, #tpu.memory_space<vmem>> -> memref<1x60xf32, #tpu.memory_space<vmem>>
    %dma_start3A_421 = tpu.memref_squeeze %dma_start3A_420 : memref<1x60xf32, #tpu.memory_space<vmem>> -> memref<60xf32, #tpu.memory_space<vmem>>
    %dma_start3A_422 = arith.constant 0 : i32
    %dma_start3A_423 = tpu.memref_slice %arg6[%add3A_411, %dma_start3A_422] : memref<640000x60xf32, #tpu.memory_space<hbm>> -> memref<1x60xf32, #tpu.memory_space<hbm>>
    %dma_start3A_424 = tpu.memref_squeeze %dma_start3A_423 : memref<1x60xf32, #tpu.memory_space<hbm>> -> memref<60xf32, #tpu.memory_space<hbm>>
    tpu.enqueue_dma source(%dma_start3A_424 : memref<60xf32, #tpu.memory_space<hbm>>) target(%dma_start3A_421 : memref<60xf32, #tpu.memory_space<vmem>>) target_semaphore(%arg17 : memref<!tpu.dma_semaphore, #tpu.memory_space<semaphore_mem>>)
    %mul3A_425 = arith.constant 20000 : i32
    %mul3A_426 = arith.muli %add3A, %mul3A_425 : i32
    %add3A_427 = arith.addi %select_n3A_329, %mul3A_426 : i32
    %dma_start3A_428 = arith.constant 6 : i32
    %dma_start3A_429 = arith.constant 0 : i32
    %dma_start3A_430 = tpu.memref_slice %arg16[%dma_start3A_428, %dma_start3A_429] : memref<8x60xf32, #tpu.memory_space<vmem>> -> memref<1x60xf32, #tpu.memory_space<vmem>>
    %dma_start3A_431 = tpu.memref_squeeze %dma_start3A_430 : memref<1x60xf32, #tpu.memory_space<vmem>> -> memref<60xf32, #tpu.memory_space<vmem>>
    %dma_start3A_432 = arith.constant 0 : i32
    %dma_start3A_433 = tpu.memref_slice %arg6[%add3A_427, %dma_start3A_432] : memref<640000x60xf32, #tpu.memory_space<hbm>> -> memref<1x60xf32, #tpu.memory_space<hbm>>
    %dma_start3A_434 = tpu.memref_squeeze %dma_start3A_433 : memref<1x60xf32, #tpu.memory_space<hbm>> -> memref<60xf32, #tpu.memory_space<hbm>>
    %dma_start3A_435 = arith.constant 0 : i32
    %dma_start3A_436 = tpu.memref_slice %arg16[%dma_start3A_428, %dma_start3A_435] : memref<8x60xf32, #tpu.memory_space<vmem>> -> memref<1x60xf32, #tpu.memory_space<vmem>>
    %dma_start3A_437 = tpu.memref_squeeze %dma_start3A_436 : memref<1x60xf32, #tpu.memory_space<vmem>> -> memref<60xf32, #tpu.memory_space<vmem>>
    %dma_start3A_438 = arith.constant 0 : i32
    %dma_start3A_439 = tpu.memref_slice %arg6[%add3A_427, %dma_start3A_438] : memref<640000x60xf32, #tpu.memory_space<hbm>> -> memref<1x60xf32, #tpu.memory_space<hbm>>
    %dma_start3A_440 = tpu.memref_squeeze %dma_start3A_439 : memref<1x60xf32, #tpu.memory_space<hbm>> -> memref<60xf32, #tpu.memory_space<hbm>>
    tpu.enqueue_dma source(%dma_start3A_440 : memref<60xf32, #tpu.memory_space<hbm>>) target(%dma_start3A_437 : memref<60xf32, #tpu.memory_space<vmem>>) target_semaphore(%arg17 : memref<!tpu.dma_semaphore, #tpu.memory_space<semaphore_mem>>)
    %dma_wait3A = arith.constant 0 : i32
    %dma_wait3A_441 = arith.constant 0 : i32
    %dma_wait3A_442 = tpu.memref_slice %arg16[%dma_wait3A, %dma_wait3A_441] : memref<8x60xf32, #tpu.memory_space<vmem>> -> memref<1x60xf32, #tpu.memory_space<vmem>>
    %dma_wait3A_443 = tpu.memref_squeeze %dma_wait3A_442 : memref<1x60xf32, #tpu.memory_space<vmem>> -> memref<60xf32, #tpu.memory_space<vmem>>
    %dma_wait3A_444 = arith.constant 0 : i32
    %dma_wait3A_445 = tpu.memref_slice %arg6[%add3A_332, %dma_wait3A_444] : memref<640000x60xf32, #tpu.memory_space<hbm>> -> memref<1x60xf32, #tpu.memory_space<hbm>>
    %dma_wait3A_446 = tpu.memref_squeeze %dma_wait3A_445 : memref<1x60xf32, #tpu.memory_space<hbm>> -> memref<60xf32, #tpu.memory_space<hbm>>
    %dma_wait3A_447 = arith.constant 0 : i32
    %dma_wait3A_448 = tpu.memref_slice %arg16[%dma_wait3A, %dma_wait3A_447] : memref<8x60xf32, #tpu.memory_space<vmem>> -> memref<1x60xf32, #tpu.memory_space<vmem>>
    %dma_wait3A_449 = tpu.memref_squeeze %dma_wait3A_448 : memref<1x60xf32, #tpu.memory_space<vmem>> -> memref<60xf32, #tpu.memory_space<vmem>>
    %dma_wait3A_450 = arith.constant 0 : i32
    %dma_wait3A_451 = tpu.memref_slice %arg6[%add3A_332, %dma_wait3A_450] : memref<640000x60xf32, #tpu.memory_space<hbm>> -> memref<1x60xf32, #tpu.memory_space<hbm>>
    %dma_wait3A_452 = tpu.memref_squeeze %dma_wait3A_451 : memref<1x60xf32, #tpu.memory_space<hbm>> -> memref<60xf32, #tpu.memory_space<hbm>>
    tpu.wait_dma2 semaphore(%arg17 : memref<!tpu.dma_semaphore, #tpu.memory_space<semaphore_mem>>) src(%dma_wait3A_452 : memref<60xf32, #tpu.memory_space<hbm>>) dst(%dma_wait3A_449 : memref<60xf32, #tpu.memory_space<vmem>>)
    %dma_wait3A_453 = arith.constant 1 : i32
    %dma_wait3A_454 = arith.constant 0 : i32
    %dma_wait3A_455 = tpu.memref_slice %arg16[%dma_wait3A_453, %dma_wait3A_454] : memref<8x60xf32, #tpu.memory_space<vmem>> -> memref<1x60xf32, #tpu.memory_space<vmem>>
    %dma_wait3A_456 = tpu.memref_squeeze %dma_wait3A_455 : memref<1x60xf32, #tpu.memory_space<vmem>> -> memref<60xf32, #tpu.memory_space<vmem>>
    %dma_wait3A_457 = arith.constant 0 : i32
    %dma_wait3A_458 = tpu.memref_slice %arg6[%add3A_347, %dma_wait3A_457] : memref<640000x60xf32, #tpu.memory_space<hbm>> -> memref<1x60xf32, #tpu.memory_space<hbm>>
    %dma_wait3A_459 = tpu.memref_squeeze %dma_wait3A_458 : memref<1x60xf32, #tpu.memory_space<hbm>> -> memref<60xf32, #tpu.memory_space<hbm>>
    %dma_wait3A_460 = arith.constant 0 : i32
    %dma_wait3A_461 = tpu.memref_slice %arg16[%dma_wait3A_453, %dma_wait3A_460] : memref<8x60xf32, #tpu.memory_space<vmem>> -> memref<1x60xf32, #tpu.memory_space<vmem>>
    %dma_wait3A_462 = tpu.memref_squeeze %dma_wait3A_461 : memref<1x60xf32, #tpu.memory_space<vmem>> -> memref<60xf32, #tpu.memory_space<vmem>>
    %dma_wait3A_463 = arith.constant 0 : i32
    %dma_wait3A_464 = tpu.memref_slice %arg6[%add3A_347, %dma_wait3A_463] : memref<640000x60xf32, #tpu.memory_space<hbm>> -> memref<1x60xf32, #tpu.memory_space<hbm>>
    %dma_wait3A_465 = tpu.memref_squeeze %dma_wait3A_464 : memref<1x60xf32, #tpu.memory_space<hbm>> -> memref<60xf32, #tpu.memory_space<hbm>>
    tpu.wait_dma2 semaphore(%arg17 : memref<!tpu.dma_semaphore, #tpu.memory_space<semaphore_mem>>) src(%dma_wait3A_465 : memref<60xf32, #tpu.memory_space<hbm>>) dst(%dma_wait3A_462 : memref<60xf32, #tpu.memory_space<vmem>>)
    %dma_wait3A_466 = arith.constant 2 : i32
    %dma_wait3A_467 = arith.constant 0 : i32
    %dma_wait3A_468 = tpu.memref_slice %arg16[%dma_wait3A_466, %dma_wait3A_467] : memref<8x60xf32, #tpu.memory_space<vmem>> -> memref<1x60xf32, #tpu.memory_space<vmem>>
    %dma_wait3A_469 = tpu.memref_squeeze %dma_wait3A_468 : memref<1x60xf32, #tpu.memory_space<vmem>> -> memref<60xf32, #tpu.memory_space<vmem>>
    %dma_wait3A_470 = arith.constant 0 : i32
    %dma_wait3A_471 = tpu.memref_slice %arg6[%add3A_363, %dma_wait3A_470] : memref<640000x60xf32, #tpu.memory_space<hbm>> -> memref<1x60xf32, #tpu.memory_space<hbm>>
    %dma_wait3A_472 = tpu.memref_squeeze %dma_wait3A_471 : memref<1x60xf32, #tpu.memory_space<hbm>> -> memref<60xf32, #tpu.memory_space<hbm>>
    %dma_wait3A_473 = arith.constant 0 : i32
    %dma_wait3A_474 = tpu.memref_slice %arg16[%dma_wait3A_466, %dma_wait3A_473] : memref<8x60xf32, #tpu.memory_space<vmem>> -> memref<1x60xf32, #tpu.memory_space<vmem>>
    %dma_wait3A_475 = tpu.memref_squeeze %dma_wait3A_474 : memref<1x60xf32, #tpu.memory_space<vmem>> -> memref<60xf32, #tpu.memory_space<vmem>>
    %dma_wait3A_476 = arith.constant 0 : i32
    %dma_wait3A_477 = tpu.memref_slice %arg6[%add3A_363, %dma_wait3A_476] : memref<640000x60xf32, #tpu.memory_space<hbm>> -> memref<1x60xf32, #tpu.memory_space<hbm>>
    %dma_wait3A_478 = tpu.memref_squeeze %dma_wait3A_477 : memref<1x60xf32, #tpu.memory_space<hbm>> -> memref<60xf32, #tpu.memory_space<hbm>>
    tpu.wait_dma2 semaphore(%arg17 : memref<!tpu.dma_semaphore, #tpu.memory_space<semaphore_mem>>) src(%dma_wait3A_478 : memref<60xf32, #tpu.memory_space<hbm>>) dst(%dma_wait3A_475 : memref<60xf32, #tpu.memory_space<vmem>>)
    %dma_wait3A_479 = arith.constant 3 : i32
    %dma_wait3A_480 = arith.constant 0 : i32
    %dma_wait3A_481 = tpu.memref_slice %arg16[%dma_wait3A_479, %dma_wait3A_480] : memref<8x60xf32, #tpu.memory_space<vmem>> -> memref<1x60xf32, #tpu.memory_space<vmem>>
    %dma_wait3A_482 = tpu.memref_squeeze %dma_wait3A_481 : memref<1x60xf32, #tpu.memory_space<vmem>> -> memref<60xf32, #tpu.memory_space<vmem>>
    %dma_wait3A_483 = arith.constant 0 : i32
    %dma_wait3A_484 = tpu.memref_slice %arg6[%add3A_379, %dma_wait3A_483] : memref<640000x60xf32, #tpu.memory_space<hbm>> -> memref<1x60xf32, #tpu.memory_space<hbm>>
    %dma_wait3A_485 = tpu.memref_squeeze %dma_wait3A_484 : memref<1x60xf32, #tpu.memory_space<hbm>> -> memref<60xf32, #tpu.memory_space<hbm>>
    %dma_wait3A_486 = arith.constant 0 : i32
    %dma_wait3A_487 = tpu.memref_slice %arg16[%dma_wait3A_479, %dma_wait3A_486] : memref<8x60xf32, #tpu.memory_space<vmem>> -> memref<1x60xf32, #tpu.memory_space<vmem>>
    %dma_wait3A_488 = tpu.memref_squeeze %dma_wait3A_487 : memref<1x60xf32, #tpu.memory_space<vmem>> -> memref<60xf32, #tpu.memory_space<vmem>>
    %dma_wait3A_489 = arith.constant 0 : i32
    %dma_wait3A_490 = tpu.memref_slice %arg6[%add3A_379, %dma_wait3A_489] : memref<640000x60xf32, #tpu.memory_space<hbm>> -> memref<1x60xf32, #tpu.memory_space<hbm>>
    %dma_wait3A_491 = tpu.memref_squeeze %dma_wait3A_490 : memref<1x60xf32, #tpu.memory_space<hbm>> -> memref<60xf32, #tpu.memory_space<hbm>>
    tpu.wait_dma2 semaphore(%arg17 : memref<!tpu.dma_semaphore, #tpu.memory_space<semaphore_mem>>) src(%dma_wait3A_491 : memref<60xf32, #tpu.memory_space<hbm>>) dst(%dma_wait3A_488 : memref<60xf32, #tpu.memory_space<vmem>>)
    %dma_wait3A_492 = arith.constant 4 : i32
    %dma_wait3A_493 = arith.constant 0 : i32
    %dma_wait3A_494 = tpu.memref_slice %arg16[%dma_wait3A_492, %dma_wait3A_493] : memref<8x60xf32, #tpu.memory_space<vmem>> -> memref<1x60xf32, #tpu.memory_space<vmem>>
    %dma_wait3A_495 = tpu.memref_squeeze %dma_wait3A_494 : memref<1x60xf32, #tpu.memory_space<vmem>> -> memref<60xf32, #tpu.memory_space<vmem>>
    %dma_wait3A_496 = arith.constant 0 : i32
    %dma_wait3A_497 = tpu.memref_slice %arg6[%add3A_395, %dma_wait3A_496] : memref<640000x60xf32, #tpu.memory_space<hbm>> -> memref<1x60xf32, #tpu.memory_space<hbm>>
    %dma_wait3A_498 = tpu.memref_squeeze %dma_wait3A_497 : memref<1x60xf32, #tpu.memory_space<hbm>> -> memref<60xf32, #tpu.memory_space<hbm>>
    %dma_wait3A_499 = arith.constant 0 : i32
    %dma_wait3A_500 = tpu.memref_slice %arg16[%dma_wait3A_492, %dma_wait3A_499] : memref<8x60xf32, #tpu.memory_space<vmem>> -> memref<1x60xf32, #tpu.memory_space<vmem>>
    %dma_wait3A_501 = tpu.memref_squeeze %dma_wait3A_500 : memref<1x60xf32, #tpu.memory_space<vmem>> -> memref<60xf32, #tpu.memory_space<vmem>>
    %dma_wait3A_502 = arith.constant 0 : i32
    %dma_wait3A_503 = tpu.memref_slice %arg6[%add3A_395, %dma_wait3A_502] : memref<640000x60xf32, #tpu.memory_space<hbm>> -> memref<1x60xf32, #tpu.memory_space<hbm>>
    %dma_wait3A_504 = tpu.memref_squeeze %dma_wait3A_503 : memref<1x60xf32, #tpu.memory_space<hbm>> -> memref<60xf32, #tpu.memory_space<hbm>>
    tpu.wait_dma2 semaphore(%arg17 : memref<!tpu.dma_semaphore, #tpu.memory_space<semaphore_mem>>) src(%dma_wait3A_504 : memref<60xf32, #tpu.memory_space<hbm>>) dst(%dma_wait3A_501 : memref<60xf32, #tpu.memory_space<vmem>>)
    %dma_wait3A_505 = arith.constant 5 : i32
    %dma_wait3A_506 = arith.constant 0 : i32
    %dma_wait3A_507 = tpu.memref_slice %arg16[%dma_wait3A_505, %dma_wait3A_506] : memref<8x60xf32, #tpu.memory_space<vmem>> -> memref<1x60xf32, #tpu.memory_space<vmem>>
    %dma_wait3A_508 = tpu.memref_squeeze %dma_wait3A_507 : memref<1x60xf32, #tpu.memory_space<vmem>> -> memref<60xf32, #tpu.memory_space<vmem>>
    %dma_wait3A_509 = arith.constant 0 : i32
    %dma_wait3A_510 = tpu.memref_slice %arg6[%add3A_411, %dma_wait3A_509] : memref<640000x60xf32, #tpu.memory_space<hbm>> -> memref<1x60xf32, #tpu.memory_space<hbm>>
    %dma_wait3A_511 = tpu.memref_squeeze %dma_wait3A_510 : memref<1x60xf32, #tpu.memory_space<hbm>> -> memref<60xf32, #tpu.memory_space<hbm>>
    %dma_wait3A_512 = arith.constant 0 : i32
    %dma_wait3A_513 = tpu.memref_slice %arg16[%dma_wait3A_505, %dma_wait3A_512] : memref<8x60xf32, #tpu.memory_space<vmem>> -> memref<1x60xf32, #tpu.memory_space<vmem>>
    %dma_wait3A_514 = tpu.memref_squeeze %dma_wait3A_513 : memref<1x60xf32, #tpu.memory_space<vmem>> -> memref<60xf32, #tpu.memory_space<vmem>>
    %dma_wait3A_515 = arith.constant 0 : i32
    %dma_wait3A_516 = tpu.memref_slice %arg6[%add3A_411, %dma_wait3A_515] : memref<640000x60xf32, #tpu.memory_space<hbm>> -> memref<1x60xf32, #tpu.memory_space<hbm>>
    %dma_wait3A_517 = tpu.memref_squeeze %dma_wait3A_516 : memref<1x60xf32, #tpu.memory_space<hbm>> -> memref<60xf32, #tpu.memory_space<hbm>>
    tpu.wait_dma2 semaphore(%arg17 : memref<!tpu.dma_semaphore, #tpu.memory_space<semaphore_mem>>) src(%dma_wait3A_517 : memref<60xf32, #tpu.memory_space<hbm>>) dst(%dma_wait3A_514 : memref<60xf32, #tpu.memory_space<vmem>>)
    %dma_wait3A_518 = arith.constant 6 : i32
    %dma_wait3A_519 = arith.constant 0 : i32
    %dma_wait3A_520 = tpu.memref_slice %arg16[%dma_wait3A_518, %dma_wait3A_519] : memref<8x60xf32, #tpu.memory_space<vmem>> -> memref<1x60xf32, #tpu.memory_space<vmem>>
    %dma_wait3A_521 = tpu.memref_squeeze %dma_wait3A_520 : memref<1x60xf32, #tpu.memory_space<vmem>> -> memref<60xf32, #tpu.memory_space<vmem>>
    %dma_wait3A_522 = arith.constant 0 : i32
    %dma_wait3A_523 = tpu.memref_slice %arg6[%add3A_427, %dma_wait3A_522] : memref<640000x60xf32, #tpu.memory_space<hbm>> -> memref<1x60xf32, #tpu.memory_space<hbm>>
    %dma_wait3A_524 = tpu.memref_squeeze %dma_wait3A_523 : memref<1x60xf32, #tpu.memory_space<hbm>> -> memref<60xf32, #tpu.memory_space<hbm>>
    %dma_wait3A_525 = arith.constant 0 : i32
    %dma_wait3A_526 = tpu.memref_slice %arg16[%dma_wait3A_518, %dma_wait3A_525] : memref<8x60xf32, #tpu.memory_space<vmem>> -> memref<1x60xf32, #tpu.memory_space<vmem>>
    %dma_wait3A_527 = tpu.memref_squeeze %dma_wait3A_526 : memref<1x60xf32, #tpu.memory_space<vmem>> -> memref<60xf32, #tpu.memory_space<vmem>>
    %dma_wait3A_528 = arith.constant 0 : i32
    %dma_wait3A_529 = tpu.memref_slice %arg6[%add3A_427, %dma_wait3A_528] : memref<640000x60xf32, #tpu.memory_space<hbm>> -> memref<1x60xf32, #tpu.memory_space<hbm>>
    %dma_wait3A_530 = tpu.memref_squeeze %dma_wait3A_529 : memref<1x60xf32, #tpu.memory_space<hbm>> -> memref<60xf32, #tpu.memory_space<hbm>>
    tpu.wait_dma2 semaphore(%arg17 : memref<!tpu.dma_semaphore, #tpu.memory_space<semaphore_mem>>) src(%dma_wait3A_530 : memref<60xf32, #tpu.memory_space<hbm>>) dst(%dma_wait3A_527 : memref<60xf32, #tpu.memory_space<vmem>>)
    "tpu.region"() ({
      %run_scoped3A_531 = tpu.sem_alloc : memref<!tpu.dma_semaphore, #tpu.memory_space<semaphore_mem>>
      %dma_start3A_532 = arith.constant 0 : i32
      %dma_start3A_533 = arith.constant 0 : i32
      %dma_start3A_534 = tpu.memref_slice %arg8[%add3A, %dma_start3A_532, %dma_start3A_533] : memref<32x8x60xf32, #tpu.memory_space<hbm>> -> memref<1x8x60xf32, #tpu.memory_space<hbm>>
      %dma_start3A_535 = tpu.memref_squeeze %dma_start3A_534 : memref<1x8x60xf32, #tpu.memory_space<hbm>> -> memref<8x60xf32, #tpu.memory_space<hbm>>
      %dma_start3A_536 = arith.constant 0 : i32
      %dma_start3A_537 = arith.constant 0 : i32
      %dma_start3A_538 = tpu.memref_slice %arg8[%add3A, %dma_start3A_536, %dma_start3A_537] : memref<32x8x60xf32, #tpu.memory_space<hbm>> -> memref<1x8x60xf32, #tpu.memory_space<hbm>>
      %dma_start3A_539 = tpu.memref_squeeze %dma_start3A_538 : memref<1x8x60xf32, #tpu.memory_space<hbm>> -> memref<8x60xf32, #tpu.memory_space<hbm>>
      tpu.enqueue_dma source(%arg16 : memref<8x60xf32, #tpu.memory_space<vmem>>) target(%dma_start3A_539 : memref<8x60xf32, #tpu.memory_space<hbm>>) target_semaphore(%run_scoped3A_531 : memref<!tpu.dma_semaphore, #tpu.memory_space<semaphore_mem>>)
      %dma_wait3A_540 = arith.constant 0 : i32
      %dma_wait3A_541 = arith.constant 0 : i32
      %dma_wait3A_542 = tpu.memref_slice %arg8[%add3A, %dma_wait3A_540, %dma_wait3A_541] : memref<32x8x60xf32, #tpu.memory_space<hbm>> -> memref<1x8x60xf32, #tpu.memory_space<hbm>>
      %dma_wait3A_543 = tpu.memref_squeeze %dma_wait3A_542 : memref<1x8x60xf32, #tpu.memory_space<hbm>> -> memref<8x60xf32, #tpu.memory_space<hbm>>
      %dma_wait3A_544 = arith.constant 0 : i32
      %dma_wait3A_545 = arith.constant 0 : i32
      %dma_wait3A_546 = tpu.memref_slice %arg8[%add3A, %dma_wait3A_544, %dma_wait3A_545] : memref<32x8x60xf32, #tpu.memory_space<hbm>> -> memref<1x8x60xf32, #tpu.memory_space<hbm>>
      %dma_wait3A_547 = tpu.memref_squeeze %dma_wait3A_546 : memref<1x8x60xf32, #tpu.memory_space<hbm>> -> memref<8x60xf32, #tpu.memory_space<hbm>>
      tpu.wait_dma2 semaphore(%run_scoped3A_531 : memref<!tpu.dma_semaphore, #tpu.memory_space<semaphore_mem>>) src(%arg16 : memref<8x60xf32, #tpu.memory_space<vmem>>) dst(%dma_wait3A_547 : memref<8x60xf32, #tpu.memory_space<hbm>>)
      tpu.yield
    }) : () -> ()
    return
  }
}

module attributes {stable_mosaic.version = 14 : i64} {
  func.func @_tc_final(%arg0: memref<32x60xf32, #tpu.memory_space<vmem>>, %arg1: memref<32x16xf32, #tpu.memory_space<vmem>>, %arg2: memref<32x8x60xf32, #tpu.memory_space<vmem>>, %arg3: memref<1x1xf32, #tpu.memory_space<smem>>, %arg4: memref<32x30xf32, #tpu.memory_space<vmem>>, %arg5: memref<32x6xf32, #tpu.memory_space<vmem>>, %arg6: memref<32x6x60xf32, #tpu.memory_space<vmem>>) attributes {dimension_semantics = [], scalar_prefetch = 0 : i64, scratch_operands = 0 : i64, tpu.core_type = #tpu.core_type<tc>} {
    %get3A = arith.constant 0 : index
    %get3A_0 = arith.constant 0 : index
    %get3A_1 = vector.load %arg0[%get3A, %get3A_0] : memref<32x60xf32, #tpu.memory_space<vmem>>, vector<32x60xf32>
    %get3A_2 = arith.constant 0 : index
    %get3A_3 = arith.constant 0 : index
    %get3A_4 = vector.load %arg1[%get3A_2, %get3A_3] : memref<32x16xf32, #tpu.memory_space<vmem>>, vector<32x16xf32>
    %get3A_5 = arith.constant 0 : index
    %get3A_6 = arith.constant 0 : index
    %get3A_7 = arith.constant 0 : index
    %get3A_8 = vector.load %arg2[%get3A_5, %get3A_6, %get3A_7] : memref<32x8x60xf32, #tpu.memory_space<vmem>>, vector<32x8x60xf32>
    %slice3A = vector.extract_strided_slice %get3A_4 {offsets = [0, 0], sizes = [32, 1], strides = [1, 1]} : vector<32x16xf32> to vector<32x1xf32>
    %squeeze3A = vector.shape_cast %slice3A : vector<32x1xf32> to vector<32xf32>
    %jit3A = arith.constant 1.000000e-07 : f32
    %jit3A_9 = arith.constant 0.99999988 : f32
    %max3A = vector.broadcast %jit3A : f32 to vector<32xf32>
    %max3A_10 = arith.maximumf %max3A, %squeeze3A : vector<32xf32>
    %min3A = vector.broadcast %jit3A_9 : f32 to vector<32xf32>
    %min3A_11 = arith.minimumf %min3A, %max3A_10 : vector<32xf32>
    %log3A = math.log %min3A_11 : vector<32xf32>
    %neg3A = arith.constant 0.000000e+00 : f32
    %neg3A_12 = vector.broadcast %neg3A : f32 to vector<32xf32>
    %neg3A_13 = arith.subf %neg3A_12, %log3A : vector<32xf32>
    %slice3A_14 = vector.extract_strided_slice %get3A_8 {offsets = [0, 0, 0], sizes = [32, 1, 60], strides = [1, 1, 1]} : vector<32x8x60xf32> to vector<32x1x60xf32>
    %squeeze3A_15 = vector.shape_cast %slice3A_14 : vector<32x1x60xf32> to vector<32x60xf32>
    %sub3A = arith.subf %squeeze3A_15, %get3A_1 : vector<32x60xf32>
    %abs3A = math.absf %sub3A : vector<32x60xf32>
    %lt3A = arith.constant 1.000000e+00 : f32
    %lt3A_16 = vector.broadcast %lt3A : f32 to vector<32x60xf32>
    %lt3A_17 = arith.cmpf olt, %abs3A, %lt3A_16 : vector<32x60xf32>
    %mul3A = arith.constant 5.000000e-01 : f32
    %mul3A_18 = vector.broadcast %mul3A : f32 to vector<32x60xf32>
    %mul3A_19 = arith.mulf %mul3A_18, %abs3A : vector<32x60xf32>
    %mul3A_20 = arith.mulf %mul3A_19, %abs3A : vector<32x60xf32>
    %sub3A_21 = arith.constant 5.000000e-01 : f32
    %sub3A_22 = vector.broadcast %sub3A_21 : f32 to vector<32x60xf32>
    %sub3A_23 = arith.subf %abs3A, %sub3A_22 : vector<32x60xf32>
    %select_n3A = arith.select %lt3A_17, %mul3A_20, %sub3A_23 : vector<32x60xi1>, vector<32x60xf32>
    %reduce_sum3A = arith.constant dense<0.000000e+00> : vector<32xf32>
    %reduce_sum3A_24 = vector.multi_reduction <add>, %select_n3A, %reduce_sum3A [1] : vector<32x60xf32> to vector<32xf32>
    %div3A = arith.constant 6.000000e+01 : f32
    %div3A_25 = vector.broadcast %div3A : f32 to vector<32xf32>
    %div3A_26 = arith.divf %reduce_sum3A_24, %div3A_25 : vector<32xf32>
    %add3A = arith.addf %div3A_26, %neg3A_13 : vector<32xf32>
    %add3A_27 = arith.constant 1.000000e+00 : f32
    %add3A_28 = vector.broadcast %add3A_27 : f32 to vector<32xf32>
    %add3A_29 = arith.addf %add3A, %add3A_28 : vector<32xf32>
    %reduce_sum3A_30 = vector.shape_cast %add3A_29 : vector<32xf32> to vector<1x32xf32>
    %reduce_sum3A_31 = arith.constant dense<0.000000e+00> : vector<1xf32>
    %reduce_sum3A_32 = vector.multi_reduction <add>, %reduce_sum3A_30, %reduce_sum3A_31 [1] : vector<1x32xf32> to vector<1xf32>
    %reduce_sum3A_33 = vector.shape_cast %reduce_sum3A_32 : vector<1xf32> to vector<1x1xf32>
    %reduce_sum3A_34 = vector.extract %reduce_sum3A_33[0, 0] : f32 from vector<1x1xf32>
    %div3A_35 = arith.constant 3.200000e+01 : f32
    %div3A_36 = arith.divf %reduce_sum3A_34, %div3A_35 : f32
    %swap3A = arith.constant 0 : index
    %swap3A_37 = arith.constant 0 : index
    %swap3A_38 = memref.load %arg3[%swap3A, %swap3A_37] : memref<1x1xf32, #tpu.memory_space<smem>>
    memref.store %div3A_36, %arg3[%swap3A, %swap3A_37] : memref<1x1xf32, #tpu.memory_space<smem>>
    %iota3A = tpu.iota {dimensions = array<i32: 1>} : vector<32x30xi32>
    %eq3A = arith.constant 29 : i32
    %eq3A_39 = vector.broadcast %eq3A : i32 to vector<32x30xi32>
    %eq3A_40 = arith.cmpi eq, %iota3A, %eq3A_39 : vector<32x30xi32>
    %slice3A_41 = vector.extract_strided_slice %get3A_4 {offsets = [0, 1], sizes = [32, 1], strides = [1, 1]} : vector<32x16xf32> to vector<32x1xf32>
    %squeeze3A_42 = vector.shape_cast %slice3A_41 : vector<32x1xf32> to vector<32xf32>
    %sqrt3A = math.sqrt %squeeze3A_42 : vector<32xf32>
    %broadcast_in_dim3A = vector.shape_cast %sqrt3A : vector<32xf32> to vector<32x1xf32>
    %jit3A_43 = arith.constant 0.000000e+00 : f32
    %broadcast_in_dim3A_44 = vector.shape_cast %broadcast_in_dim3A : vector<32x1xf32> to vector<32x1xf32>
    %broadcast_in_dim3A_45 = vector.broadcast %broadcast_in_dim3A_44 : vector<32x1xf32> to vector<32x30xf32>
    %broadcast_in_dim3A_46 = vector.broadcast %jit3A_43 : f32 to vector<32x30xf32>
    %select_n3A_47 = arith.select %eq3A_40, %broadcast_in_dim3A_45, %broadcast_in_dim3A_46 : vector<32x30xi1>, vector<32x30xf32>
    %swap3A_48 = arith.constant 0 : index
    %swap3A_49 = arith.constant 0 : index
    %swap3A_50 = vector.load %arg4[%swap3A_48, %swap3A_49] : memref<32x30xf32, #tpu.memory_space<vmem>>, vector<32x30xf32>
    tpu.vector_store %arg4[%swap3A_48, %swap3A_49], %select_n3A_47 {strides = array<i32>} : memref<32x30xf32, #tpu.memory_space<vmem>>, vector<32x30xf32>,
    %slice3A_51 = vector.extract_strided_slice %get3A_4 {offsets = [0, 8], sizes = [32, 6], strides = [1, 1]} : vector<32x16xf32> to vector<32x6xf32>
    %gt3A = arith.constant 5.000000e-01 : f32
    %gt3A_52 = vector.broadcast %gt3A : f32 to vector<32x6xf32>
    %gt3A_53 = arith.cmpf ogt, %slice3A_51, %gt3A_52 : vector<32x6xf32>
    %slice3A_54 = vector.extract_strided_slice %get3A_4 {offsets = [0, 2], sizes = [32, 6], strides = [1, 1]} : vector<32x16xf32> to vector<32x6xf32>
    %jit3A_55 = arith.constant 0.000000e+00 : f32
    %broadcast_in_dim3A_56 = vector.broadcast %jit3A_55 : f32 to vector<32x6xf32>
    %select_n3A_57 = arith.select %gt3A_53, %slice3A_54, %broadcast_in_dim3A_56 : vector<32x6xi1>, vector<32x6xf32>
    %swap3A_58 = arith.constant 0 : index
    %swap3A_59 = arith.constant 0 : index
    %swap3A_60 = vector.load %arg5[%swap3A_58, %swap3A_59] : memref<32x6xf32, #tpu.memory_space<vmem>>, vector<32x6xf32>
    tpu.vector_store %arg5[%swap3A_58, %swap3A_59], %select_n3A_57 {strides = array<i32>} : memref<32x6xf32, #tpu.memory_space<vmem>>, vector<32x6xf32>,
    %slice3A_61 = vector.extract_strided_slice %get3A_8 {offsets = [0, 1, 0], sizes = [32, 6, 60], strides = [1, 1, 1]} : vector<32x8x60xf32> to vector<32x6x60xf32>
    %broadcast_in_dim3A_62 = vector.shape_cast %slice3A_51 : vector<32x6xf32> to vector<32x6x1xf32>
    %mul3A_63 = vector.broadcast %broadcast_in_dim3A_62 : vector<32x6x1xf32> to vector<32x6x60xf32>
    %mul3A_64 = arith.mulf %slice3A_61, %mul3A_63 : vector<32x6x60xf32>
    %swap3A_65 = arith.constant 0 : index
    %swap3A_66 = arith.constant 0 : index
    %swap3A_67 = arith.constant 0 : index
    %swap3A_68 = vector.load %arg6[%swap3A_65, %swap3A_66, %swap3A_67] : memref<32x6x60xf32, #tpu.memory_space<vmem>>, vector<32x6x60xf32>
    tpu.vector_store %arg6[%swap3A_65, %swap3A_66, %swap3A_67], %mul3A_64 {strides = array<i32>} : memref<32x6x60xf32, #tpu.memory_space<vmem>>, vector<32x6x60xf32>,
    return
  }
}

</mosaic_0001>

<sc_bundles>
// kernel: kernel.4.cloned.1.call-start
scs
__scs_entry_jumppad:
0x0: {  	(pc) =	sbr.rel $0x88, $3  }
0x1: {  	(tag) =	ssettag $0x0;
	lr =	simm.s32 $0x1  }
0x2: {  	[smem:$0x3F9D] =	sst lr;
	_ =	strace $0xD0000000  }
0x3: {  	_ = 	snop  }
0x4: {  	_ = 	snop  }
0x5: {  	_ = 	snop  }
0x6: {  	_ = 	snop  }
0x7: {  	_ = 	snop  }
__scs_overlays_trampoline_lowered:
0x8: {  	[smem:$0x3FAC] =	sst s0  }
0x9: {  	[smem:$0x3FAD] =	sst s1  }
0xa: {  	[smem:$0x3FAE] =	sst s2  }
0xb: {  	[smem:$0x3FAF] =	sst s3  }
0xc: {  	[smem:$0x3FB0] =	sst s4  }
0xd: {  	[smem:$0x3FB1] =	sst s5  }
0xe: {  	[smem:$0x3FB2] =	sst s6  }
0xf: {  	[smem:$0x3FB3] =	sst s7  }
0x10: {  	[smem:$0x3FB4] =	sst s8  }
0x11: {  	[smem:$0x3FB5] =	sst s9;
	s0 =	simm.s32 @!p0 $0x0  }
0x12: {  	s1 =	sld [smem:$0x3F9B];
	s0 =	simm.s32 @p0 $0x1  }
0x13: {  	[smem:$0x3FB6] =	sst s0;
	s0 =	simm.s32 @!p1 $0x0  }
0x14: {  	s2 =	sld [smem:$0x3F9A];
	s0 =	simm.s32 @p1 $0x1  }
0x15: {  	[smem:$0x3FB7] =	sst s0;
	s0 =	simm.s32 @!p2 $0x0  }
0x16: {  	s3 =	sld [smem:$0x3FDB];
	s0 =	simm.s32 @p2 $0x1  }
0x17: {  	s4 =	simm.s32 $0x1BF5;
	[smem:$0x3FB9] =	sst s0  }
0x18: {  	s0 =	sld [smem:$0x3F9C];
	_ =	swait.ge [sflag:s4], $0x0  }
0x19: {  	s7 =	sld [smem:$0x3F9D]  }
0x1a: {  	s8 =	sadd.s32 $0xFFFFE003, lr  }
0x1b: {  	s9 =	sadd.s32 $0xFFFFFEF7, lr;
	s5 =	simm.s32 $0xFFFFFFFF;
	p2 =	slt.u32 s8, $0xFFFFF086  }
0x1c: {  	p1 =	slt.u32 s9, $0xF7A;
	s5 =	simm.s32 @!p2 $0x0  }
0x1d: {  	s5 =	simm.s32 @p1 $0x1;
	p0 =	seq.s32 s7, s2  }
0x1e: {  	s7 =	smul.u32 @!p0 $0xF7A, s2;
	p2 =	seq.s32 @!p0 s5, $0x0  }
0x1f: {  	s9 =	smul.u32 $0xF7A, s1;
	s8 =	simm.s32 @!p0 $0x1BF5;
	p2 =	por !p2, p0  }
0x20: {  	[sflag:s8] =	ssyncset.s32 @!p0 $0xFFFFF086;
	s6 =	sadd.s32 @!p0 s3, s7;
	s7 =	simm.s32 @!p0 $0x108  }
0x21: {  	s3 =	sadd.s32 s3, s9;
	s6 =	sadd.s32 @!p0 $0x88, s6;
	s7 =	simm.s32 @p2 $0x1082  }
0x22: {  	[simem:s7], [sflag:s8] =	dma.local @!p0 [hbm:s6], $0xF7A  }
0x23: {  	s9 =	sor.u32 $0xD0000000, s2;
	s6 =	simm.s32 $0x108;
	_ =	swait.ge @!p0 [sflag:s8], $0x0  }
0x24: {  	s3 =	sadd.s32 $0x88, s3;
	s6 =	simm.s32 @!p1 $0x1082;
	[sflag:s4] =	ssyncset.s32 $0xFFFFF086  }
0x25: {  	[simem:s6], [sflag:s4] =	dma.local [hbm:s3], $0xF7A  }
0x26: {  	[smem:$0x3F9D] =	sst s1;
	(tag) =	ssettag s2;
	_ =	strace s9  }
0x27: {  	s1 =	sld [smem:$0x3FAD]  }
0x28: {  	s2 =	sld [smem:$0x3FAE]  }
0x29: {  	s4 =	sld [smem:$0x3FB0]  }
0x2a: {  	p0 =	seq.s32 s5, $0x0;
	s5 =	sld [smem:$0x3FB1]  }
0x2b: {  	s6 =	sld [smem:$0x3FB2]  }
0x2c: {  	s7 =	sld [smem:$0x3FB3]  }
0x2d: {  	s3 =	simm.s32 $0x108;
	s8 =	sld [smem:$0x3FB4]  }
0x2e: {  	s3 =	simm.s32 @!p0 $0x1082;
	s9 =	sld [smem:$0x3FB5]  }
0x2f: {  	lr =	sadd.s32 s0, s3;
	s0 =	sld [smem:$0x3FAC]  }
0x30: {  	s3 =	sld [smem:$0x3FAF]  }
0x31: {  	[smem:$0x3FB8] =	sst s10  }
0x32: {  	s10 =	sld [smem:$0x3FB6];
	_ =	sdelay $0x3  }
0x33: {  	p0 =	seq.s32 s10, $0x1;
	s10 =	sld [smem:$0x3FB8];
	_ =	sdelay $0x3  }
0x34: {  	[smem:$0x3FB8] =	sst s10  }
0x35: {  	s10 =	sld [smem:$0x3FB7];
	_ =	sdelay $0x3  }
0x36: {  	p1 =	seq.s32 s10, $0x1;
	s10 =	sld [smem:$0x3FB8];
	_ =	sdelay $0x3  }
0x37: {  	[smem:$0x3FB8] =	sst s10  }
0x38: {  	s10 =	sld [smem:$0x3FB9]  }
0x39: {  	_ = 	snop;
	(pc) =	sbr.ind lr, $3  }
0x3a: {  	_ = 	snop  }
0x3b: {  	_ = 	snop  }
0x3c: {  	p2 =	seq.s32 s10, $0x1;
	s10 =	sld [smem:$0x3FB8]  }
0x3d: {  	_ =	shalt  }
0x3e: {  	_ =	shalt  }
0x3f: {  	_ =	shalt  }
0x40: {  	_ =	shalt  }
0x41: {  	_ =	shalt  }
0x42: {  	_ =	shalt  }
0x43: {  	_ =	shalt  }
0x44: {  	_ =	shalt  }
0x45: {  	_ =	shalt  }
0x46: {  	_ =	shalt  }
0x47: {  	_ =	shalt  }
0x48: {  	_ =	shalt  }
0x49: {  	_ =	shalt  }
0x4a: {  	_ =	shalt  }
0x4b: {  	_ =	shalt  }
0x4c: {  	_ =	shalt  }
0x4d: {  	_ =	shalt  }
0x4e: {  	_ =	shalt  }
0x4f: {  	_ =	shalt  }
0x50: {  	_ =	shalt  }
0x51: {  	_ =	shalt  }
0x52: {  	_ =	shalt  }
0x53: {  	_ =	shalt  }
0x54: {  	_ =	shalt  }
0x55: {  	_ =	shalt  }
0x56: {  	_ =	shalt  }
0x57: {  	_ =	shalt  }
0x58: {  	_ =	shalt  }
0x59: {  	_ =	shalt  }
0x5a: {  	_ =	shalt  }
0x5b: {  	_ =	shalt  }
0x5c: {  	_ =	shalt  }
0x5d: {  	_ =	shalt  }
0x5e: {  	_ =	shalt  }
0x5f: {  	_ =	shalt  }
0x60: {  	_ =	shalt  }
0x61: {  	_ =	shalt  }
0x62: {  	_ =	shalt  }
0x63: {  	_ =	shalt  }
0x64: {  	_ =	shalt  }
0x65: {  	_ =	shalt  }
0x66: {  	_ =	shalt  }
0x67: {  	_ =	shalt  }
0x68: {  	_ =	shalt  }
0x69: {  	_ =	shalt  }
0x6a: {  	_ =	shalt  }
0x6b: {  	_ =	shalt  }
0x6c: {  	_ =	shalt  }
0x6d: {  	_ =	shalt  }
0x6e: {  	_ =	shalt  }
0x6f: {  	_ =	shalt  }
0x70: {  	_ =	shalt  }
0x71: {  	_ =	shalt  }
0x72: {  	_ =	shalt  }
0x73: {  	_ =	shalt  }
0x74: {  	_ =	shalt  }
0x75: {  	_ =	shalt  }
0x76: {  	_ =	shalt  }
0x77: {  	_ =	shalt  }
0x78: {  	_ =	shalt  }
0x79: {  	_ =	shalt  }
0x7a: {  	_ =	shalt  }
0x7b: {  	_ =	shalt  }
0x7c: {  	_ =	shalt  }
0x7d: {  	_ =	shalt  }
0x7e: {  	_ =	shalt  }
0x7f: {  	_ =	shalt  }
0x80: {  	_ =	shalt  }
0x81: {  	_ =	shalt  }
0x82: {  	_ =	shalt  }
0x83: {  	_ =	shalt  }
0x84: {  	_ =	shalt  }
0x85: {  	_ =	shalt  }
0x86: {  	_ =	shalt  }
0x87: {  	_ =	shalt  }
.Lfunc_end0:
.L_simem_size_0:
called_computation_lowered:
.L_overlay_start_0:
0x88: {  	s2 =	sld [smem:$0x3FD9]  }
0x89: {  	s3 =	sld [smem:$0x3FFE];
	_ =	sdelay $0x1  }
0x8a: {  	s1 =	srdreg.scid  }
0x8b: {  	s0 =	sand.u32 $0x1, s1  }
0x8c: {  	s14 =	sshll.u32 s0, $0xA;
	s2 =	sadd.s32 s3, s2  }
0x8d: {  	s2 =	sadd.s32 s2, s14  }
0x8e: {  	[smem:$0x3FC4] =	sst s2  }
0x8f: {  	_ = 	snop  }
0x90: {  	s2 =	sld [smem:$0x3FD0];
	_ =	sdelay $0x2  }
0x91: {  	s4 =	simm.s32 $0xA;
	s5 =	simm.s32 $0x10;
	s15 =	sld [smem:$0x3FC8]  }
0x92: {  	[smem:s5], [sflag:s4] =	dma.local [hbm:s2], $0x1  }
0x93: {  	_ =	swait.eq [sflag:s4], $0x1  }
0x94: {  	[sflag:s4] =	ssyncset.done $0x0  }
0x95: {  	s16 =	sld [smem:$0x11];
	[sflag:s4] =	ssyncadd.s32 $0xFFFFFFFF  }
0x96: {  	s17 =	sld [smem:$0x12];
	(tm) =	ssettm $0x1  }
0x97: {  	s18 =	sld [smem:$0x3FFB];
	_ =	sdelay $0x3  }
0x98: {  	_ =	strace s18  }
0x99: {  	s5 =	sld [smem:$0x3FFC];
	_ =	sdelay $0x3  }
0x9a: {  	_ =	strace s5  }
0x9b: {  	s5 =	sld [smem:$0x3FFD];
	_ =	sdelay $0x3  }
0x9c: {  	_ =	strace s5  }
0x9d: {  	_ =	strace $0x8FFFFFFF  }
0x9e: {  	s19 =	sld [smem:$0x3FDB];
	_ =	sdelay $0x1  }
0x9f: {  	s6 =	simm.s32 $_scs_section_size  }
0xa0: {  	s7 =	simm.s32 $_size__tile_overlayer_lowered;
	s8 =	simm.s32 $_tile_overlayer_lowered  }
0xa1: {  	s22 =	simm.s32 $0x1BFF;
	s21 =	sshll.u32 s8, $0x1;
	s5 =	sadd.s32 s6, s19  }
0xa2: {  	s9 =	simm.s32 $0x0;
	s20 =	sshll.u32 s7, $0x1;
	s7 =	sadd.s32 s21, s5  }
0xa3: {  	[timem:s9], [sflag:s22] =	dma.local [hbm:s7], s20  }
0xa4: {  	_ =	swait.ge [sflag:s22], s20  }
0xa5: {  	s6 =	ssub.s32 $0x0, s20;
	[sflag:s22] =	ssyncset.done $0x0  }
0xa6: {  	[sflag:s22] =	ssyncadd.s32 s6;
	_ =	sdelay $0x1  }
0xa7: {  	s23 =	simm.s32 $0x1B8B  }
0xa8: {  	_ =	swait.ge [sflag:s23], $0x1  }
0xa9: {  	[sflag:s23] =	ssyncset.done $0x0  }
0xaa: {  	s25 =	simm.s32 $0x1B8E;
	s24 =	sld [smem:$0x3FFE];
	[sflag:s23] =	ssyncadd.s32 $0xFFFFFFFF  }
0xab: {  	s26 =	simm.s32 $execute0_lowered;
	[smem:$0x3FD2] =	sst s25  }
0xac: {  	s7 =	sshll.u32 s26, $0x1;
	_ =	strace $0x80000046;
	[dreg:$0x1] =	wrdreg $0xFFFFFFFF  }
0xad: {  	s28 =	simm.s32 $_size_execute0_lowered;
	s5 =	sadd.s32 s5, s7;
	[dreg:$0x0] =	wrdreg $0x0  }
0xae: {  	s7 =	sshll.u32 s28, $0x1;
	[dreg:$0x2] =	wrdreg s5  }
0xaf: {  	[dreg:$0x3] =	wrdreg s7  }
0xb0: {  	[dreg:$0x4] =	wrdreg $0xC0  }
0xb1: {  	_ =	task [dreg:s9], $0x5FFFF  }
0xb2: {  	[dreg:$0x1] =	wrdreg $0xFFFFFFFF  }
0xb3: {  	[dreg:$0x0] =	wrdreg $0x60  }
0xb4: {  	[dreg:$0x2] =	wrdreg s15  }
0xb5: {  	[dreg:$0x3] =	wrdreg s24  }
0xb6: {  	[dreg:$0x4] =	wrdreg s16  }
0xb7: {  	[dreg:$0x5] =	wrdreg s17  }
0xb8: {  	[dreg:$0x6] =	wrdreg $0x9  }
0xb9: {  	_ =	task.clear_ibuf [dreg:s9], $0x7FFFF;
	_ =	strace $0x90000046  }
0xba: {  	s29 =	simm.s32 $0x9;
	_ =	strace $0x80000048  }
0xbb: {  	_ =	swait.ge [sflag:s29], $0x1  }
0xbc: {  	[sflag:s29] =	ssyncadd.s32 $0xFFFFFFFF  }
0xbd: {  	_ =	strace $0x90000048  }
0xbe: {  	_ =	sfence  }
0xbf: {  	s30 =	sld [smem:$0x0];
	_ =	sdelay $0x2  }
0xc0: {  	s31 =	sshll.u32 s1, $0xD;
	s1 =	sshrl.u32 s1, $0x2  }
0xc1: {  	s3 =	sand.u32 $0x4000, s31;
	s1 =	sadd.s32 s1, s30  }
0xc2: {  	s0 =	sor.u32 s3, s0;
	s1 =	sshll.u32 s1, $0x11  }
0xc3: {  	s0 =	sor.u32 s1, s0  }
0xc4: {  	s0 =	sadd.s32 $0x8F2B, s0  }
0xc5: {  	[sflag:s0] =	ssyncadd.remote.s32 $0x1  }
0xc6: {  	_ =	sfence.sel $0xFFFF  }
0xc7: {  	[dreg:$0x0] =	wrdreg $0xFFFFFFFF;
	(pc) =	sbr.abs _section_cstart, $3  }
0xc8: {  	[dreg:$0x1] =	wrdreg $0xFFFFFFFF  }
0xc9: {  	_ =	task.clear_ibuf [dreg:s9], $0x2FFFF;
	_ =	strace $0x9FFFFFFF  }
0xca: {  	(tm) =	ssettm $0x7FFFFFFF  }
0xcb: {  	_ =	shalt  }
tec
execute0_lowered:
.L_overlay_start_1:
0x0: {  	(tag) =	ssettag $0x1  }
0x1: {  	s1 =	rddreg [dreg:$0x0]  }
0x2: {  	s0 =	srdreg.scid;
	s4 =	rddreg [dreg:$0x1]  }
0x3: {  	s3 =	stileid.u32;
	s7 =	rddreg [dreg:$0x2]  }
0x4: {  	s12 =	rddreg [dreg:$0x3];
	s14 =	simm.s32 $0x100;
	s15 =	simm.s32 $0x2  }
0x5: {  	s20 =	simm.s32 $0x13B80;
	s28 =	simm.s32 $0x1;
	s29 =	simm.s32 $0x0  }
0x6: {  	s0 =	sand.u32 $0x1, s0;
	s2 =	sshll.u32 s3, $0x1;
	s3 =	sshrl.u32 s3, $0x2  }
0x7: {  	s10 =	sor.u32 s0, s2;
	s5 =	smul.u32 $0x27400, s3;
	s2 =	simm.s32 $0x0  }
0x8: {  	s3 =	sshll.u32 s3, $0xA;
	s0 =	ssub.s32 $0x2, s0;
	s11 =	sshll.u32 s10, $0x7  }
0x9: {  	[smem:$0x7FF] =	sst s2;
	s30 =	smul.u32 $0x13A0, s10;
	s31 =	sshrl.u32 s0, $0x1  }
0xa: {  	s10 =	smul.u32 $0x4E20, s10;
	s6 =	sand.u32 $0x380, s11;
	_ =	strace $0x80000047  }
0xb: {  	s0 =	ssub.s32 s0, s31;
	s11 =	sadd.s32 s12, s11;
	s5 =	sor.u32 s5, s6  }
0xc: {  	s26 =	sor.u32 s3, s6;
	s3 =	sadd.s32 $0x97D000, s4;
	s12 =	smax.u32 s0, $0x1  }
0xd: {  	s5 =	sshrl.u32 s5, $0x3;
	s9 =	sshrl.u32 s26, $0x3;
	s26 =	simm.s32 $0x13E80  }
0xe: {  	v0 =	vlaneseq.u32;
	vm0 =	vcmask $0x338;
	s8 =	sadd.s32 s5, s4;
	s13 =	sadd.s32 s9, s4;
	s4 =	sadd.s32 s1, s30  }
0xf: {  	vm1 =	vcmask $0x738;
	vm2 =	vcmask $0xB38;
	vm3 =	vcmask $0xF38;
	s7 =	sadd.s32 s7, s9;
	s5 =	sadd.s32 $0x10, s4;
	s6 =	sadd.s32 $0x1800, s8  }
0x10: {  	vm4 =	vcmask $0x1338;
	vm5 =	vcmask $0x1738;
	vm6 =	vcmask $0x1B38;
	s8 =	sadd.s32 $0x15200, s13;
	s9 =	sadd.s32 $0x15400, s13;
	s13 =	simm.s32 $0x80  }
.LBB2_1:
0x11: {  	[tilespmem:s2], [sflag:$0x2] =	stream.strided.gather [hbm4b:s4+s13], $0x4E80, s14, s13, $0x38;
	[tilespmem:$0x13F80] =	vst v63  }
0x12: {  	_ =	swait.ge [sflag:s15], $0x4E80  }
0x13: {  	[sflag:s15] =	ssyncset.done $0x0  }
0x14: {  	s0 =	simm.s32 $0x4E80;
	[sflag:s15] =	ssyncadd.s32 $0xFFFFB180  }
0x15: {  	[tilespmem:s0], [sflag:$0x2] =	stream.strided.gather [hbm4b:s5+s13], $0x4E80, s14, s13, $0x38;
	[tilespmem:$0x13F80] =	vst v63  }
0x16: {  	_ =	swait.ge [sflag:s15], $0x4E80  }
0x17: {  	[sflag:s15] =	ssyncset.done $0x0  }
0x18: {  	s1 =	simm.s32 $0x9D00;
	s16 =	simm.s32 $0x400;
	[sflag:s15] =	ssyncadd.s32 $0xFFFFB180  }
0x19: {  	[tilespmem:s1], [sflag:$0x2] =	stream.strided.gather [hbm4b:s6+s13], $0x4E80, s16, s13, $0x38;
	[tilespmem:$0x13F80] =	vst v63  }
0x1a: {  	_ =	swait.ge [sflag:s15], $0x4E80  }
0x1b: {  	[sflag:s15] =	ssyncset.done $0x0  }
0x1c: {  	s30 =	simm.s32 $0x13A00;
	[sflag:s15] =	ssyncadd.s32 $0xFFFFB180  }
0x1d: {  	[tilespmem:s30], [sflag:$0x2] =	stream.linear.gather [hbm4b:s7+s2], $0x80, $0x38;
	[tilespmem:$0x13F80] =	vst v63  }
0x1e: {  	_ =	swait.ge [sflag:s15], $0x80  }
0x1f: {  	[sflag:s15] =	ssyncset.done $0x0  }
0x20: {  	s31 =	simm.s32 $0x13A80;
	[sflag:s15] =	ssyncadd.s32 $0xFFFFFF80  }
0x21: {  	[tilespmem:s31], [sflag:$0x2] =	stream.linear.gather [hbm4b:s8+s2], $0x80, $0x38;
	[tilespmem:$0x13F80] =	vst v63  }
0x22: {  	_ =	swait.ge [sflag:s15], $0x80  }
0x23: {  	[sflag:s15] =	ssyncset.done $0x0  }
0x24: {  	[sflag:s15] =	ssyncadd.s32 $0xFFFFFF80  }
0x25: {  	v1 =	vld [tilespmem:$0x13A00]  }
0x26: {  	v2 =	vld [tilespmem:$0x13A80]  }
0x27: {  	v3 =	vld [tilespmem:s2+$0x0]  }
0x28: {  	v4 =	vld [tilespmem:s0+$0x0];
	_ =	sdelay $0x2  }
0x29: {  	s0 =	simm.s32 $0x10  }
0x2a: {  	v5 =	vld [tilespmem:s0+$0x0]  }
0x2b: {  	v7 =	vld [tilespmem:s1+$0x0];
	s1 =	simm.s32 $0x4E90;
	v3 =	vsub.f32 v3, v1;
	v4 =	vsub.f32 v4, v2  }
0x2c: {  	v11 =	vld [tilespmem:s1+$0x0]  }
0x2d: {  	v9 =	vmul.f32 v3, v3;
	v4 =	vmul.f32 v4, v4  }
0x2e: {  	v8 =	vimm.f32 $3.399999950e+38  }
0x2f: {  	v6 =	vimm.s32 $0x0;
	s16 =	simm.s32 $0x9D10;
	v12 =	vsub.f32 v5, v1;
	v10 =	vadd.f32 v4, v9  }
0x30: {  	s17 =	simm.s32 $0x20;
	s18 =	simm.s32 $0x20;
	v5 =	vimm.s32 $0x0;
	v3 =	vimm.f32 $-1.000000020e+30;
	v4 =	vld [tilespmem:s16+$0x0];
	v9 =	vor.u32 s2, v0  }
.LBB2_2:
0x31: {  	v13 =	vld [tilespmem:s18+$0x0];
	v14 =	vsub.f32 v11, v2;
	s1 =	sadd.s32 $0x10, s1;
	vm7 =	vlt.f32 v10, v8;
	vm8 =	vgt.f32 v7, v3;
	s19 =	smov.u32 s17;
	p0 =	sne.s32 s17, $0x4E10  }
.Ltmp0:
0x32: {  	s17 =	sadd.s32 $0x10, s17;
	v11 =	vld [tilespmem:s1+$0x0];
	v8 =	vsel vm7, v10, v8;
	v6 =	vsel vm7, v9, v6;
	v3 =	vsel vm8, v7, v3;
	(pc) =	sbr.rel @p0 .LBB2_2-.Ltmp0, $3  }
0x33: {  	v12 =	vmul.f32 v12, v12;
	v5 =	vsel vm8, v9, v5;
	v10 =	vmul.f32 v14, v14;
	_ =	sdelay $0x1  }
0x34: {  	s16 =	sadd.s32 $0x10, s16;
	v10 =	vadd.f32 v10, v12;
	v7 =	vmov v4  }
0x35: {  	s18 =	sadd.s32 $0x10, s18;
	v9 =	vor.u32 s0, v0;
	s0 =	smov.u32 s19;
	v4 =	vld [tilespmem:s16+$0x0];
	v12 =	vsub.f32 v13, v1  }
0x36: {  	v11 =	vsub.f32 v11, v2;
	_ =	sdelay $0x1  }
0x37: {  	v12 =	vmul.f32 v12, v12;
	v11 =	vmul.f32 v11, v11;
	_ =	sdelay $0x1  }
0x38: {  	vm7 =	vlt.f32 v10, v8;
	v11 =	vadd.f32 v11, v12  }
0x39: {  	v8 =	vsel vm7, v10, v8  }
0x3a: {  	vm8 =	vlt.f32 v11, v8  }
0x3b: {  	v8 =	vsel vm8, v11, v8  }
0x3c: {  	(xrf0) =	vmin.scan.msk.f32 $0xffff, v8;
	_ =	sdelay $0x5  }
0x3d: {  	v10, _, _ =	vpop (xrf0)  }
0x3e: {  	v6 =	vsel vm7, v9, v6;
	v11 =	vor.u32 s0, v0;
	v10 =	vbroadcast v10, $0xF  }
0x3f: {  	vm7 =	vgt.f32 v7, v3;
	v6 =	vsel vm8, v11, v6  }
0x40: {  	v3 =	vsel vm7, v7, v3;
	v6 =	vxor.u32 $0x80000000, v6;
	vm8 =	veq.f32 v8, v10  }
0x41: {  	v6 =	vnsel vm8, $0xFFFFFFFF, v6;
	vm8 =	vgt.f32 v4, v3  }
0x42: {  	v7 =	vsel vm8, v4, v3;
	(xrf0) =	vmin.scan.msk.u32 $0xffff, v6  }
0x43: {  	(xrf0) =	vmax.scan.msk.f32 $0xffff, v7;
	_ =	sdelay $0x4  }
0x44: {  	v6, _, _ =	vpop (xrf0)  }
0x45: {  	v4, _, _ =	vpop (xrf0)  }
0x46: {  	v5 =	vsel vm7, v9, v5;
	v3 =	vbroadcast v4, $0xF  }
0x47: {  	v5 =	vsel vm8, v11, v5  }
0x48: {  	v5 =	vxor.u32 $0x80000000, v5;
	vm7 =	veq.f32 v7, v3  }
0x49: {  	v5 =	vnsel vm7, $0xFFFFFFFF, v5  }
0x4a: {  	(xrf0) =	vmin.scan.msk.u32 $0xffff, v5;
	_ =	sdelay $0x5  }
0x4b: {  	(v2sf) =	vpush v6, $0xF;
	v5, _, _ =	vpop (xrf0)  }
0x4c: {  	(v2sf) =	vpush v5, $0xF;
	_ =	sdelay $0xd  }
0x4d: {  	s31 =	spop (v2sf)  }
0x4e: {  	s23 =	spop (v2sf)  }
0x4f: {  	s30 =	sxor.u32 $0x80000000, s23  }
0x50: {  	v6 =	vmov s30;
	_ =	sdelay $0x1  }
0x51: {  	s24 =	simm.s32 $0x4E80  }
0x52: {  	s17 =	simm.s32 $0x0;
	v8 =	vld [tilespmem:s24+$0x0]  }
0x53: {  	v7 =	vld [tilespmem:s17+$0x0]  }
0x54: {  	v5 =	vld.idx.msk [tilespmem:v6+s17+$0x0], $0xffff  }
0x55: {  	v6 =	vld.idx.msk [tilespmem:v6+s24+$0x0], $0xffff;
	_ =	sdelay $0x4  }
0x56: {  	v7 =	vsub.f32 v7, v5;
	v8 =	vsub.f32 v8, v6  }
0x57: {  	s1 =	simm.s32 $0x9D00  }
0x58: {  	v10 =	vld [tilespmem:s1+$0x0];
	s25 =	sxor.u32 $0x80000000, s31;
	v7 =	vmul.f32 v7, v7;
	v8 =	vmul.f32 v8, v8  }
0x59: {  	v9 =	vmov s25  }
0x5a: {  	v7 =	vadd.f32 v8, v7;
	_ =	sdelay $0x1  }
0x5b: {  	vm7 =	vle.f32 v7, $4.000000000e+00  }
0x5c: {  	s0 =	simm.s32 $0xEB80;
	v8 =	vimm.f32 $-1.000000020e+30;
	v10 =	vsel vm7, $0xF149F2CA, v10  }
0x5d: {  	s16 =	simm.s32 $0x10;
	v63 =	vor.u32 s17, v0;
	v11 =	vimm.s32 $0x0;
	v7 =	vld.idx.msk [tilespmem:v9+s1+$0x0], $0xffff;
	[tilespmem:s0+$0x0] =	vst v10;
	vm7 =	vgt.f32 v10, v8  }
0x5e: {  	s18 =	simm.s32 $0x4E90;
	s19 =	simm.s32 $0x10;
	s17 =	simm.s32 $0x20;
	v9 =	vld [tilespmem:s16+$0x0];
	v8 =	vsel vm7, v10, v8;
	v10 =	vsel vm7, v63, v11  }
.LBB2_4:
0x5f: {  	p0 =	sne.s32 s17, $0x4E10;
	v11 =	vld [tilespmem:s18+$0x0];
	_ =	sdelay $0x4  }
0x60: {  	v9 =	vsub.f32 v9, v5;
	v11 =	vsub.f32 v11, v6  }
0x61: {  	s1 =	sadd.s32 $0x10, s1  }
0x62: {  	v9 =	vmul.f32 v9, v9;
	v12 =	vld [tilespmem:s1+$0x0];
	v11 =	vmul.f32 v11, v11;
	_ =	sdelay $0x1  }
0x63: {  	v9 =	vadd.f32 v11, v9  }
.Ltmp1:
0x64: {  	(pc) =	sbr.rel @p0 .LBB2_4-.Ltmp1, $4  }
0x65: {  	vm7 =	vle.f32 v9, $4.000000000e+00  }
0x66: {  	s0 =	sadd.s32 $0x10, s0;
	v11 =	vsel vm7, $0xF149F2CA, v12  }
0x67: {  	s19 =	sadd.s32 $0x10, s19;
	v12 =	vor.u32 s16, v0;
	s16 =	smov.u32 s17;
	[tilespmem:s0+$0x0] =	vst v11;
	vm7 =	vgt.f32 v11, v8  }
0x68: {  	s18 =	sadd.s32 $0x10, s18;
	s17 =	sadd.s32 $0x10, s17;
	v9 =	vld [tilespmem:s19+$0x0];
	v8 =	vsel vm7, v11, v8;
	v10 =	vsel vm7, v12, v10  }
0x69: {  	v11 =	vld [tilespmem:s18+$0x0];
	_ =	sdelay $0x4  }
0x6a: {  	v9 =	vsub.f32 v9, v5;
	v11 =	vsub.f32 v11, v6  }
0x6b: {  	s1 =	sadd.s32 $0x10, s1  }
0x6c: {  	v12 =	vld [tilespmem:s1+$0x0];
	v9 =	vmul.f32 v9, v9;
	v11 =	vmul.f32 v11, v11;
	_ =	sdelay $0x1  }
0x6d: {  	v9 =	vadd.f32 v11, v9;
	_ =	sdelay $0x1  }
0x6e: {  	vm7 =	vle.f32 v9, $4.000000000e+00  }
0x6f: {  	v11 =	vsel vm7, $0xF149F2CA, v12  }
0x70: {  	vm7 =	vgt.f32 v11, v8  }
0x71: {  	v12 =	vsel vm7, v11, v8  }
0x72: {  	(xrf0) =	vmax.scan.msk.f32 $0xffff, v12;
	_ =	sdelay $0x5  }
0x73: {  	v9, _, _ =	vpop (xrf0)  }
0x74: {  	v13 =	vor.u32 s16, v0;
	v8 =	vbroadcast v9, $0xF  }
0x75: {  	v10 =	vsel vm7, v13, v10  }
0x76: {  	v10 =	vxor.u32 $0x80000000, v10;
	vm7 =	veq.f32 v12, v8  }
0x77: {  	v10 =	vnsel vm7, $0xFFFFFFFF, v10  }
0x78: {  	(xrf0) =	vmin.scan.msk.u32 $0xffff, v10;
	_ =	sdelay $0x5  }
0x79: {  	v10, _, _ =	vpop (xrf0)  }
0x7a: {  	(v2sf) =	vpush v10, $0xF;
	_ =	sdelay $0xe  }
0x7b: {  	s24 =	spop (v2sf)  }
0x7c: {  	s1 =	sxor.u32 $0x80000000, s24  }
0x7d: {  	v12 =	vmov s1;
	_ =	sdelay $0x1  }
0x7e: {  	s0 =	sadd.s32 $0x10, s0  }
0x7f: {  	s25 =	simm.s32 $0x4E80;
	[tilespmem:s0+$0x0] =	vst v11  }
0x80: {  	s17 =	simm.s32 $0x0;
	v13 =	vld [tilespmem:s25+$0x0]  }
0x81: {  	v10 =	vld.idx.msk [tilespmem:v12+s17+$0x0], $0xffff  }
0x82: {  	v11 =	vld.idx.msk [tilespmem:v12+s25+$0x0], $0xffff  }
0x83: {  	v12 =	vld [tilespmem:s17+$0x0];
	_ =	sdelay $0x4  }
0x84: {  	v12 =	vsub.f32 v12, v10;
	v13 =	vsub.f32 v13, v11  }
0x85: {  	s0 =	simm.s32 $0xEB80  }
0x86: {  	v14 =	vld [tilespmem:s0+$0x0];
	v12 =	vmul.f32 v12, v12;
	v13 =	vmul.f32 v13, v13;
	_ =	sdelay $0x1  }
0x87: {  	v12 =	vadd.f32 v13, v12;
	_ =	sdelay $0x1  }
0x88: {  	vm7 =	vle.f32 v12, $4.000000000e+00  }
0x89: {  	v12 =	vimm.f32 $-1.000000020e+30;
	v13 =	vsel vm7, $0xF149F2CA, v14  }
0x8a: {  	v15 =	vimm.s32 $0x0;
	s16 =	simm.s32 $0x10;
	v16 =	vor.u32 s17, v0;
	[tilespmem:s0+$0x0] =	vst v13;
	vm7 =	vgt.f32 v13, v12  }
0x8b: {  	s18 =	simm.s32 $0x4E90;
	s19 =	simm.s32 $0x10;
	s17 =	simm.s32 $0x20;
	v14 =	vld [tilespmem:s16+$0x0];
	v13 =	vsel vm7, v13, v12;
	v12 =	vsel vm7, v16, v15  }
.LBB2_6:
0x8c: {  	p0 =	sne.s32 s17, $0x4E10;
	v15 =	vld [tilespmem:s18+$0x0];
	_ =	sdelay $0x4  }
0x8d: {  	v14 =	vsub.f32 v14, v10;
	v15 =	vsub.f32 v15, v11  }
0x8e: {  	s0 =	sadd.s32 $0x10, s0  }
0x8f: {  	v14 =	vmul.f32 v14, v14;
	v16 =	vld [tilespmem:s0+$0x0];
	v15 =	vmul.f32 v15, v15;
	_ =	sdelay $0x1  }
0x90: {  	v14 =	vadd.f32 v15, v14  }
.Ltmp2:
0x91: {  	(pc) =	sbr.rel @p0 .LBB2_6-.Ltmp2, $4  }
0x92: {  	vm7 =	vle.f32 v14, $4.000000000e+00  }
0x93: {  	v15 =	vsel vm7, $0xF149F2CA, v16  }
0x94: {  	s19 =	sadd.s32 $0x10, s19;
	v16 =	vor.u32 s16, v0;
	s16 =	smov.u32 s17;
	[tilespmem:s0+$0x0] =	vst v15;
	vm7 =	vgt.f32 v15, v13  }
0x95: {  	s18 =	sadd.s32 $0x10, s18;
	s17 =	sadd.s32 $0x10, s17;
	v14 =	vld [tilespmem:s19+$0x0];
	v13 =	vsel vm7, v15, v13;
	v12 =	vsel vm7, v16, v12  }
0x96: {  	v15 =	vld [tilespmem:s18+$0x0];
	_ =	sdelay $0x4  }
0x97: {  	v10 =	vsub.f32 v14, v10;
	v11 =	vsub.f32 v15, v11  }
0x98: {  	s17 =	sadd.s32 $0x10, s0  }
0x99: {  	v14 =	vld [tilespmem:s17+$0x0];
	v10 =	vmul.f32 v10, v10;
	v11 =	vmul.f32 v11, v11;
	_ =	sdelay $0x1  }
0x9a: {  	v10 =	vadd.f32 v11, v10;
	_ =	sdelay $0x1  }
0x9b: {  	vm7 =	vle.f32 v10, $4.000000000e+00  }
0x9c: {  	v14 =	vsel vm7, $0xF149F2CA, v14  }
0x9d: {  	vm7 =	vgt.f32 v14, v13  }
0x9e: {  	v13 =	vsel vm7, v14, v13  }
0x9f: {  	(xrf0) =	vmax.scan.msk.f32 $0xffff, v13;
	_ =	sdelay $0x5  }
0xa0: {  	v11, _, _ =	vpop (xrf0)  }
0xa1: {  	v15 =	vor.u32 s16, v0;
	v10 =	vbroadcast v11, $0xF  }
0xa2: {  	v12 =	vsel vm7, v15, v12  }
0xa3: {  	v12 =	vxor.u32 $0x80000000, v12;
	vm7 =	veq.f32 v13, v10  }
0xa4: {  	v12 =	vnsel vm7, $0xFFFFFFFF, v12  }
0xa5: {  	(xrf0) =	vmin.scan.msk.u32 $0xffff, v12;
	_ =	sdelay $0x5  }
0xa6: {  	v12, _, _ =	vpop (xrf0)  }
0xa7: {  	(v2sf) =	vpush v12, $0xF;
	_ =	sdelay $0xe  }
0xa8: {  	s23 =	spop (v2sf)  }
0xa9: {  	s0 =	sxor.u32 $0x80000000, s23  }
0xaa: {  	v13 =	vmov s0;
	_ =	sdelay $0x1  }
0xab: {  	s24 =	simm.s32 $0x0;
	[tilespmem:s17+$0x0] =	vst v14  }
0xac: {  	s25 =	simm.s32 $0x4E80;
	v14 =	vld [tilespmem:s24+$0x0]  }
0xad: {  	v15 =	vld [tilespmem:s25+$0x0]  }
0xae: {  	v12 =	vld.idx.msk [tilespmem:v13+s24+$0x0], $0xffff  }
0xaf: {  	v13 =	vld.idx.msk [tilespmem:v13+s25+$0x0], $0xffff;
	_ =	sdelay $0x4  }
0xb0: {  	v14 =	vsub.f32 v14, v12;
	v15 =	vsub.f32 v15, v13  }
0xb1: {  	s16 =	simm.s32 $0xEB80  }
0xb2: {  	v16 =	vld [tilespmem:s16+$0x0];
	v14 =	vmul.f32 v14, v14;
	v15 =	vmul.f32 v15, v15;
	_ =	sdelay $0x1  }
0xb3: {  	v14 =	vadd.f32 v15, v14;
	_ =	sdelay $0x1  }
0xb4: {  	vm7 =	vle.f32 v14, $4.000000000e+00  }
0xb5: {  	v14 =	vimm.f32 $-1.000000020e+30;
	v15 =	vsel vm7, $0xF149F2CA, v16  }
0xb6: {  	v17 =	vimm.s32 $0x0;
	v18 =	vor.u32 s24, v0;
	s17 =	simm.s32 $0x10;
	[tilespmem:s16+$0x0] =	vst v15;
	vm7 =	vgt.f32 v15, v14  }
0xb7: {  	s18 =	simm.s32 $0x20;
	s19 =	simm.s32 $0x4E90;
	s21 =	simm.s32 $0x10;
	v16 =	vld [tilespmem:s17+$0x0];
	v15 =	vsel vm7, v15, v14;
	v14 =	vsel vm7, v18, v17  }
.LBB2_8:
0xb8: {  	p0 =	sne.s32 s18, $0x4E10;
	v17 =	vld [tilespmem:s19+$0x0];
	_ =	sdelay $0x4  }
0xb9: {  	v16 =	vsub.f32 v16, v12;
	v17 =	vsub.f32 v17, v13  }
0xba: {  	s16 =	sadd.s32 $0x10, s16  }
0xbb: {  	v16 =	vmul.f32 v16, v16;
	v18 =	vld [tilespmem:s16+$0x0];
	v17 =	vmul.f32 v17, v17;
	_ =	sdelay $0x1  }
0xbc: {  	v16 =	vadd.f32 v17, v16  }
.Ltmp3:
0xbd: {  	(pc) =	sbr.rel @p0 .LBB2_8-.Ltmp3, $4  }
0xbe: {  	vm7 =	vle.f32 v16, $4.000000000e+00  }
0xbf: {  	v17 =	vsel vm7, $0xF149F2CA, v18  }
0xc0: {  	s21 =	sadd.s32 $0x10, s21;
	v18 =	vor.u32 s17, v0;
	s17 =	smov.u32 s18;
	[tilespmem:s16+$0x0] =	vst v17;
	vm7 =	vgt.f32 v17, v15  }
0xc1: {  	s19 =	sadd.s32 $0x10, s19;
	s18 =	sadd.s32 $0x10, s18;
	v16 =	vld [tilespmem:s21+$0x0];
	v15 =	vsel vm7, v17, v15;
	v14 =	vsel vm7, v18, v14  }
0xc2: {  	v17 =	vld [tilespmem:s19+$0x0];
	_ =	sdelay $0x4  }
0xc3: {  	v12 =	vsub.f32 v16, v12;
	v13 =	vsub.f32 v17, v13  }
0xc4: {  	s18 =	sadd.s32 $0x10, s16  }
0xc5: {  	v16 =	vld [tilespmem:s18+$0x0];
	v12 =	vmul.f32 v12, v12;
	v13 =	vmul.f32 v13, v13;
	_ =	sdelay $0x1  }
0xc6: {  	v12 =	vadd.f32 v13, v12;
	_ =	sdelay $0x1  }
0xc7: {  	vm7 =	vle.f32 v12, $4.000000000e+00  }
0xc8: {  	v16 =	vsel vm7, $0xF149F2CA, v16  }
0xc9: {  	vm7 =	vgt.f32 v16, v15  }
0xca: {  	v15 =	vsel vm7, v16, v15  }
0xcb: {  	(xrf0) =	vmax.scan.msk.f32 $0xffff, v15;
	_ =	sdelay $0x5  }
0xcc: {  	v13, _, _ =	vpop (xrf0)  }
0xcd: {  	v17 =	vor.u32 s17, v0;
	v12 =	vbroadcast v13, $0xF  }
0xce: {  	v14 =	vsel vm7, v17, v14  }
0xcf: {  	v14 =	vxor.u32 $0x80000000, v14;
	vm7 =	veq.f32 v15, v12  }
0xd0: {  	v14 =	vnsel vm7, $0xFFFFFFFF, v14  }
0xd1: {  	(xrf0) =	vmin.scan.msk.u32 $0xffff, v14;
	_ =	sdelay $0x5  }
0xd2: {  	v14, _, _ =	vpop (xrf0)  }
0xd3: {  	(v2sf) =	vpush v14, $0xF;
	_ =	sdelay $0xe  }
0xd4: {  	s23 =	spop (v2sf)  }
0xd5: {  	s16 =	sxor.u32 $0x80000000, s23  }
0xd6: {  	v15 =	vmov s16;
	_ =	sdelay $0x1  }
0xd7: {  	s24 =	simm.s32 $0x0;
	[tilespmem:s18+$0x0] =	vst v16  }
0xd8: {  	s25 =	simm.s32 $0x4E80;
	v16 =	vld [tilespmem:s24+$0x0]  }
0xd9: {  	v17 =	vld [tilespmem:s25+$0x0]  }
0xda: {  	v14 =	vld.idx.msk [tilespmem:v15+s24+$0x0], $0xffff  }
0xdb: {  	v15 =	vld.idx.msk [tilespmem:v15+s25+$0x0], $0xffff;
	_ =	sdelay $0x4  }
0xdc: {  	v16 =	vsub.f32 v16, v14;
	v17 =	vsub.f32 v17, v15  }
0xdd: {  	s17 =	simm.s32 $0xEB80  }
0xde: {  	v18 =	vld [tilespmem:s17+$0x0];
	v16 =	vmul.f32 v16, v16;
	v17 =	vmul.f32 v17, v17;
	_ =	sdelay $0x1  }
0xdf: {  	v16 =	vadd.f32 v17, v16;
	_ =	sdelay $0x1  }
0xe0: {  	vm7 =	vle.f32 v16, $4.000000000e+00  }
0xe1: {  	v16 =	vimm.f32 $-1.000000020e+30;
	v17 =	vsel vm7, $0xF149F2CA, v18  }
0xe2: {  	v19 =	vimm.s32 $0x0;
	v20 =	vor.u32 s24, v0;
	s18 =	simm.s32 $0x10;
	[tilespmem:s17+$0x0] =	vst v17;
	vm7 =	vgt.f32 v17, v16  }
0xe3: {  	s19 =	simm.s32 $0x20;
	s21 =	simm.s32 $0x4E90;
	s22 =	simm.s32 $0x10;
	v18 =	vld [tilespmem:s18+$0x0];
	v17 =	vsel vm7, v17, v16;
	v16 =	vsel vm7, v20, v19  }
.LBB2_10:
0xe4: {  	p0 =	sne.s32 s19, $0x4E10;
	v19 =	vld [tilespmem:s21+$0x0];
	_ =	sdelay $0x4  }
0xe5: {  	v18 =	vsub.f32 v18, v14;
	v19 =	vsub.f32 v19, v15  }
0xe6: {  	s17 =	sadd.s32 $0x10, s17  }
0xe7: {  	v18 =	vmul.f32 v18, v18;
	v20 =	vld [tilespmem:s17+$0x0];
	v19 =	vmul.f32 v19, v19;
	_ =	sdelay $0x1  }
0xe8: {  	v18 =	vadd.f32 v19, v18  }
.Ltmp4:
0xe9: {  	(pc) =	sbr.rel @p0 .LBB2_10-.Ltmp4, $4  }
0xea: {  	vm7 =	vle.f32 v18, $4.000000000e+00  }
0xeb: {  	v19 =	vsel vm7, $0xF149F2CA, v20  }
0xec: {  	s22 =	sadd.s32 $0x10, s22;
	v20 =	vor.u32 s18, v0;
	s18 =	smov.u32 s19;
	[tilespmem:s17+$0x0] =	vst v19;
	vm7 =	vgt.f32 v19, v17  }
0xed: {  	s21 =	sadd.s32 $0x10, s21;
	s19 =	sadd.s32 $0x10, s19;
	v18 =	vld [tilespmem:s22+$0x0];
	v17 =	vsel vm7, v19, v17;
	v16 =	vsel vm7, v20, v16  }
0xee: {  	v19 =	vld [tilespmem:s21+$0x0];
	_ =	sdelay $0x4  }
0xef: {  	v14 =	vsub.f32 v18, v14;
	v15 =	vsub.f32 v19, v15  }
0xf0: {  	s19 =	sadd.s32 $0x10, s17  }
0xf1: {  	v18 =	vld [tilespmem:s19+$0x0];
	v14 =	vmul.f32 v14, v14;
	v15 =	vmul.f32 v15, v15;
	_ =	sdelay $0x1  }
0xf2: {  	v14 =	vadd.f32 v15, v14;
	_ =	sdelay $0x1  }
0xf3: {  	vm7 =	vle.f32 v14, $4.000000000e+00  }
0xf4: {  	v18 =	vsel vm7, $0xF149F2CA, v18  }
0xf5: {  	vm7 =	vgt.f32 v18, v17  }
0xf6: {  	v17 =	vsel vm7, v18, v17  }
0xf7: {  	(xrf0) =	vmax.scan.msk.f32 $0xffff, v17;
	_ =	sdelay $0x5  }
0xf8: {  	v15, _, _ =	vpop (xrf0)  }
0xf9: {  	v19 =	vor.u32 s18, v0;
	v14 =	vbroadcast v15, $0xF  }
0xfa: {  	v16 =	vsel vm7, v19, v16  }
0xfb: {  	v16 =	vxor.u32 $0x80000000, v16;
	vm7 =	veq.f32 v17, v14  }
0xfc: {  	v16 =	vnsel vm7, $0xFFFFFFFF, v16  }
0xfd: {  	(xrf0) =	vmin.scan.msk.u32 $0xffff, v16;
	_ =	sdelay $0x5  }
0xfe: {  	v16, _, _ =	vpop (xrf0)  }
0xff: {  	(v2sf) =	vpush v16, $0xF;
	_ =	sdelay $0xe  }
0x100: {  	s24 =	spop (v2sf)  }
0x101: {  	s17 =	sxor.u32 $0x80000000, s24  }
0x102: {  	v16 =	vmov s17;
	_ =	sdelay $0x2  }
0x103: {  	s25 =	simm.s32 $0x4E80;
	[tilespmem:s19+$0x0] =	vst v18  }
0x104: {  	s19 =	simm.s32 $0x0;
	v17 =	vld [tilespmem:s25+$0x0]  }
0x105: {  	v18 =	vld.idx.msk [tilespmem:v16+s19+$0x0], $0xffff  }
0x106: {  	v19 =	vld.idx.msk [tilespmem:v16+s25+$0x0], $0xffff  }
0x107: {  	v16 =	vld [tilespmem:s19+$0x0];
	_ =	sdelay $0x3  }
0x108: {  	s18 =	simm.s32 $0x10  }
0x109: {  	s22 =	simm.s32 $0x4E90;
	v20 =	vld [tilespmem:s18+$0x0];
	v16 =	vsub.f32 v16, v18;
	v17 =	vsub.f32 v17, v19  }
0x10a: {  	s21 =	simm.s32 $0xEB80;
	v22 =	vld [tilespmem:s22+$0x0]  }
0x10b: {  	v21 =	vld [tilespmem:s21+$0x0];
	v23 =	vmul.f32 v16, v16;
	v24 =	vmul.f32 v17, v17;
	_ =	sdelay $0x1  }
0x10c: {  	v23 =	vadd.f32 v24, v23  }
0x10d: {  	s23 =	simm.s32 $0x20;
	s24 =	simm.s32 $0x20;
	v17 =	vimm.f32 $-1.000000020e+30;
	v16 =	vimm.s32 $0x0  }
.LBB2_12:
0x10e: {  	v24 =	vsub.f32 v20, v18;
	v20 =	vld [tilespmem:s24+$0x0];
	v25 =	vsub.f32 v22, v19;
	s22 =	sadd.s32 $0x10, s22;
	vm7 =	vle.f32 v23, $4.000000000e+00;
	s25 =	smov.u32 s23;
	p0 =	sne.s32 s23, $0x4E10  }
.Ltmp5:
0x10f: {  	s23 =	sadd.s32 $0x10, s23;
	v26 =	vor.u32 s19, v0;
	s21 =	sadd.s32 $0x10, s21;
	v22 =	vld [tilespmem:s22+$0x0];
	v23 =	vsel vm7, $0xF149F2CA, v21;
	(pc) =	sbr.rel @p0 .LBB2_12-.Ltmp5, $4  }
0x110: {  	s19 =	smov.u32 s18;
	s18 =	smov.u32 s25;
	v21 =	vld [tilespmem:s21+$0x0];
	v24 =	vmul.f32 v24, v24;
	v25 =	vmul.f32 v25, v25;
	vm7 =	vgt.f32 v23, v17  }
0x111: {  	v17 =	vsel vm7, v23, v17;
	v16 =	vsel vm7, v26, v16  }
0x112: {  	v23 =	vadd.f32 v25, v24  }
0x113: {  	s24 =	sadd.s32 $0x10, s24  }
0x114: {  	v18 =	vsub.f32 v20, v18;
	v19 =	vsub.f32 v22, v19  }
0x115: {  	s21 =	sadd.s32 $0x10, s21  }
0x116: {  	v54 =	vld [tilespmem:s21+$0x0];
	v18 =	vmul.f32 v18, v18;
	v19 =	vmul.f32 v19, v19  }
0x117: {  	v1 =	vsub.f32 v5, v1;
	v2 =	vsub.f32 v6, v2  }
0x118: {  	vm7 =	vle.f32 v23, $4.000000000e+00;
	v55 =	vadd.f32 v19, v18  }
0x119: {  	v56 =	vsel vm7, $0xF149F2CA, v21;
	v1 =	vmul.f32 v1, v1;
	v2 =	vmul.f32 v2, v2  }
0x11a: {  	vm7 =	vgt.f32 v56, v17;
	vm8 =	vle.f32 v55, $4.000000000e+00  }
0x11b: {  	v57 =	vsel vm7, v56, v17;
	v1 =	vadd.f32 v2, v1;
	v58 =	vsel vm8, $0xF149F2CA, v54  }
0x11c: {  	(xrf0) =	vmax.scan.msk.f32 $0xffff, v7;
	vm8 =	vgt.f32 v58, v57  }
0x11d: {  	(xrf0) =	vmax.scan.msk.f32 $0xffff, v1;
	v2 =	vsel vm8, v58, v57  }
0x11e: {  	(xrf0) =	vmax.scan.msk.f32 $0xffff, v2;
	_ =	sdelay $0x2  }
0x11f: {  	(v2sf) =	vpush v4, $0xF  }
0x120: {  	v1, _, _ =	vpop (xrf0)  }
0x121: {  	v59, _, _ =	vpop (xrf0)  }
0x122: {  	v60 =	vor.u32 s19, v0;
	v62 =	vor.u32 s18, v0;
	(v2sf) =	vpush v9, $0xF;
	v61, _, _ =	vpop (xrf0)  }
0x123: {  	(v2sf) =	vpush v11, $0xF;
	v5 =	vsel vm7, v60, v16;
	v63 =	vbroadcast v61, $0xF  }
0x124: {  	(v2sf) =	vpush v13, $0xF;
	v5 =	vsel vm8, v62, v5  }
0x125: {  	(v2sf) =	vpush v15, $0xF;
	vm7 =	veq.f32 v2, v63;
	v2 =	vxor.u32 $0x80000000, v5  }
0x126: {  	v2 =	vnsel vm7, $0xFFFFFFFF, v2  }
0x127: {  	(v2sf) =	vpush v61, $0xF;
	(xrf0) =	vmin.scan.msk.u32 $0xffff, v2;
	_ =	sdelay $0x1  }
0x128: {  	v2 =	vbroadcast v59, $0xF  }
0x129: {  	v1 =	vbroadcast v1, $0xF  }
0x12a: {  	vm7 =	vmmov $0x1  }
0x12b: {  	v1 =	vnsel vm7, $0x0, v1  }
0x12c: {  	v1 =	vsel vm0, v1, v2;
	v2, _, _ =	vpop (xrf0)  }
0x12d: {  	s21 =	spop (v2sf);
	(v2sf) =	vpush v2, $0xF  }
0x12e: {  	v1 =	vsel vm1, v1, v3  }
0x12f: {  	v1 =	vsel vm2, v1, v8  }
0x130: {  	s18 =	simm.f32 $1.000000000e+00;
	s22 =	spop (v2sf);
	v1 =	vsel vm3, v1, v10  }
0x131: {  	s19 =	simm.f32 $1.000000000e+00;
	p5 =	sgt.f32 s21, $-1.000000020e+29;
	s23 =	spop (v2sf);
	v1 =	vsel vm4, v1, v12  }
0x132: {  	s21 =	simm.f32 $1.000000000e+00;
	p4 =	sgt.f32 s22, $-1.000000020e+29;
	s24 =	spop (v2sf);
	v1 =	vsel vm5, v1, v14  }
0x133: {  	p3 =	sgt.f32 s23, $-1.000000020e+29;
	s21 =	simm.s32 @!p5 $0x0;
	s25 =	spop (v2sf);
	vm7 =	veq.s32 v0, $0x8;
	v1 =	vsel vm6, v1, v63  }
0x134: {  	p2 =	sgt.f32 s24, $-1.000000020e+29;
	s18 =	simm.s32 @!p4 $0x0;
	p0 =	sgt.f32 s25, $-1.000000020e+29;
	v1 =	vsel vm7, s21, v1;
	vm7 =	veq.s32 v0, $0x9  }
0x135: {  	s19 =	simm.s32 @!p3 $0x0;
	v1 =	vsel vm7, s18, v1;
	s18 =	simm.f32 $1.000000000e+00;
	vm7 =	veq.s32 v0, $0xA;
	s22 =	spop (v2sf)  }
0x136: {  	s18 =	simm.s32 @!p2 $0x0;
	v1 =	vsel vm7, s19, v1;
	s19 =	simm.f32 $1.000000000e+00;
	vm7 =	veq.s32 v0, $0xB;
	p1 =	sgt.f32 s22, $-1.000000020e+29  }
0x137: {  	s19 =	simm.s32 @!p0 $0x0;
	v1 =	vsel vm7, s18, v1;
	s18 =	simm.f32 $1.000000000e+00;
	vm7 =	veq.s32 v0, $0xC  }
0x138: {  	v1 =	vsel vm7, s19, v1;
	vm7 =	veq.s32 v0, $0xD;
	s18 =	simm.s32 @!p1 $0x0  }
0x139: {  	s24 =	sadd.s32 s10, s31;
	v1 =	vsel vm7, s18, v1  }
0x13a: {  	s23 =	simm.s32 $0x13B00;
	s31 =	sshll.u32 s31, $0x7;
	s25 =	sshll.u32 s24, $0x7;
	[tilespmem:$0x13B00] =	vst v1  }
0x13b: {  	[hbm4b:s9+s2] =	stream.linear.scatter [tilespmem:s23], [sflag:$0x2], $0x80, $0x38;
	[tilespmem:$0x13F80] =	vst v63  }
0x13c: {  	s21 =	sand.u32 $0x380, s31;
	s19 =	sand.u32 $0xFFFFFC00, s25;
	s18 =	spop (v2sf)  }
0x13d: {  	s19 =	sor.u32 s21, s19;
	_ =	swait.ge [sflag:s15], $0x80  }
0x13e: {  	s30 =	simm.s32 @!p5 $0x0;
	s19 =	sshrl.u32 s19, $0x3;
	[sflag:s15] =	ssyncset.done $0x0  }
0x13f: {  	s21 =	sadd.s32 s10, s30;
	s19 =	sadd.s32 s3, s19;
	[sflag:s15] =	ssyncadd.s32 $0xFFFFFF80  }
0x140: {  	[tilespmem:s20], [sflag:$0x1] =	stream.linear.gather [hbm4b:s19+s2], $0x80, $0x38;
	[tilespmem:$0x13F80] =	vst v63  }
0x141: {  	s22 =	sshll.u32 s30, $0x7;
	s19 =	sshll.u32 s21, $0x7  }
0x142: {  	s21 =	sand.u32 $0x380, s22;
	s19 =	sand.u32 $0xFFFFFC00, s19  }
0x143: {  	s19 =	sor.u32 s21, s19  }
0x144: {  	s1 =	simm.s32 @!p4 $0x0;
	s19 =	sshrl.u32 s19, $0x3  }
0x145: {  	s24 =	sadd.s32 s10, s1;
	s23 =	simm.s32 $0x13C00;
	s19 =	sadd.s32 s3, s19  }
0x146: {  	[tilespmem:s23], [sflag:$0x1] =	stream.linear.gather [hbm4b:s19+s2], $0x80, $0x38;
	[tilespmem:$0x13F80] =	vst v63  }
0x147: {  	s1 =	sshll.u32 s1, $0x7;
	s19 =	sshll.u32 s24, $0x7  }
0x148: {  	s1 =	sand.u32 $0x380, s1;
	s19 =	sand.u32 $0xFFFFFC00, s19  }
0x149: {  	s1 =	sor.u32 s1, s19  }
0x14a: {  	s0 =	simm.s32 @!p3 $0x0;
	s1 =	sshrl.u32 s1, $0x3  }
0x14b: {  	s25 =	simm.s32 $0x13C80;
	s30 =	sadd.s32 s10, s0;
	s1 =	sadd.s32 s3, s1  }
0x14c: {  	[tilespmem:s25], [sflag:$0x1] =	stream.linear.gather [hbm4b:s1+s2], $0x80, $0x38;
	[tilespmem:$0x13F80] =	vst v63  }
0x14d: {  	s0 =	sshll.u32 s0, $0x7;
	s1 =	sshll.u32 s30, $0x7  }
0x14e: {  	s0 =	sand.u32 $0x380, s0;
	s1 =	sand.u32 $0xFFFFFC00, s1  }
0x14f: {  	s0 =	sor.u32 s0, s1  }
0x150: {  	s16 =	simm.s32 @!p2 $0x0;
	s0 =	sshrl.u32 s0, $0x3  }
0x151: {  	s31 =	simm.s32 $0x13D00;
	s19 =	sadd.s32 s10, s16;
	s0 =	sadd.s32 s3, s0  }
0x152: {  	[tilespmem:s31], [sflag:$0x1] =	stream.linear.gather [hbm4b:s0+s2], $0x80, $0x38;
	[tilespmem:$0x13F80] =	vst v63  }
0x153: {  	s21 =	sshll.u32 s16, $0x7;
	s0 =	sshll.u32 s19, $0x7  }
0x154: {  	s1 =	sand.u32 $0x380, s21;
	s0 =	sand.u32 $0xFFFFFC00, s0  }
0x155: {  	s0 =	sor.u32 s1, s0  }
0x156: {  	s17 =	simm.s32 @!p0 $0x0;
	s0 =	sshrl.u32 s0, $0x3  }
0x157: {  	s22 =	simm.s32 $0x13D80;
	s23 =	sadd.s32 s10, s17;
	s0 =	sadd.s32 s3, s0  }
0x158: {  	[tilespmem:s22], [sflag:$0x1] =	stream.linear.gather [hbm4b:s0+s2], $0x80, $0x38;
	[tilespmem:$0x13F80] =	vst v63  }
0x159: {  	s24 =	sshll.u32 s17, $0x7;
	s0 =	sshll.u32 s23, $0x7  }
0x15a: {  	s1 =	sand.u32 $0x380, s24;
	s0 =	sand.u32 $0xFFFFFC00, s0  }
0x15b: {  	s0 =	sor.u32 s1, s0  }
0x15c: {  	s18 =	simm.s32 @!p1 $0x0;
	s0 =	sshrl.u32 s0, $0x3  }
0x15d: {  	s25 =	simm.s32 $0x13E00;
	s30 =	sadd.s32 s10, s18;
	s0 =	sadd.s32 s3, s0  }
0x15e: {  	[tilespmem:s25], [sflag:$0x1] =	stream.linear.gather [hbm4b:s0+s2], $0x80, $0x38;
	[tilespmem:$0x13F80] =	vst v63  }
0x15f: {  	s31 =	sshll.u32 s18, $0x7;
	s0 =	sshll.u32 s30, $0x7  }
0x160: {  	s1 =	sand.u32 $0x380, s31;
	s0 =	sand.u32 $0xFFFFFC00, s0  }
0x161: {  	s0 =	sor.u32 s1, s0  }
0x162: {  	s0 =	sshrl.u32 s0, $0x3  }
0x163: {  	s0 =	sadd.s32 s3, s0  }
0x164: {  	[tilespmem:s26], [sflag:$0x1] =	stream.linear.gather [hbm4b:s0+s2], $0x80, $0x38;
	[tilespmem:$0x13F80] =	vst v63  }
0x165: {  	_ =	swait.ge [sflag:s28], $0x80  }
0x166: {  	[sflag:s28] =	ssyncset.done $0x0  }
0x167: {  	[sflag:s28] =	ssyncadd.s32 $0xFFFFFF80  }
0x168: {  	_ =	swait.ge [sflag:s28], $0x80  }
0x169: {  	[sflag:s28] =	ssyncset.done $0x0  }
0x16a: {  	[sflag:s28] =	ssyncadd.s32 $0xFFFFFF80  }
0x16b: {  	_ =	swait.ge [sflag:s28], $0x80  }
0x16c: {  	[sflag:s28] =	ssyncset.done $0x0  }
0x16d: {  	[sflag:s28] =	ssyncadd.s32 $0xFFFFFF80  }
0x16e: {  	_ =	swait.ge [sflag:s28], $0x80  }
0x16f: {  	[sflag:s28] =	ssyncset.done $0x0  }
0x170: {  	[sflag:s28] =	ssyncadd.s32 $0xFFFFFF80  }
0x171: {  	_ =	swait.ge [sflag:s28], $0x80  }
0x172: {  	[sflag:s28] =	ssyncset.done $0x0  }
0x173: {  	[sflag:s28] =	ssyncadd.s32 $0xFFFFFF80  }
0x174: {  	_ =	swait.ge [sflag:s28], $0x80  }
0x175: {  	[sflag:s28] =	ssyncset.done $0x0  }
0x176: {  	[sflag:s28] =	ssyncadd.s32 $0xFFFFFF80  }
0x177: {  	s29 =	sadd.s32 $0x1, s29;
	_ =	swait.ge [sflag:s28], $0x80  }
0x178: {  	p0 =	sne.s32 s29, s12;
	[sflag:s28] =	ssyncset.done $0x0  }
.Ltmp6:
0x179: {  	[sflag:s28] =	ssyncadd.s32 $0xFFFFFF80;
	(pc) =	sbr.rel @p0 .LBB2_1-.Ltmp6, $4  }
0x17a: {  	[hbm4b:s11+s2] =	stream.linear.scatter [tilespmem:s20], [sflag:$0x2], $0x400, $0x38;
	[tilespmem:$0x13F80] =	vst v63  }
0x17b: {  	_ =	swait.ge [sflag:s15], $0x400  }
0x17c: {  	[sflag:s15] =	ssyncset.done $0x0  }
0x17d: {  	[sflag:s15] =	ssyncadd.s32 $0xFFFFFC00  }
0x17e: {  	_ =	sfence.sel $0x180000  }
0x17f: {  	[bflag:$0x0] =	sbarrier.arrive $0xFFFF  }
0x180: {  	_ =	strace $0x90000047  }
0x181: {  	s0 =	stileid.u32;
	[bflag:$0x2] =	sbarrier.arrive $0xFFFF  }
0x182: {  	p0 =	sne.s32 s0, $0x0;
	s0 =	rddreg [dreg:$0x4]  }
0x183: {  	s0 =	sadd.s32 @!p0 $0x100000, s0  }
0x184: {  	[sflag:s0] =	ssyncadd.tile.s32 @!p0 $0x1;
	_ =	shalt  }
.Lfunc_end2:
_tile_overlayer_lowered:
.L_overlay_start_2:
0x185: {  	(tag) =	ssettag $0x2  }
0x186: {  	s0 =	rddreg [dreg:$0x0];
	s2 =	stileid.u32  }
0x187: {  	s1 =	rddreg [dreg:$0x1];
	p0 =	sne.s32 s2, $0x0  }
0x188: {  	s3 =	rddreg [dreg:$0x2];
	[bflag:$0x3] =	sbarrier.arrive $0xFFFF;
	s2 =	simm.s32 @!p0 $0x1C02  }
0x189: {  	[timem:s3], [sflag:s2] =	dma.local @!p0 [hbm:s0], s1  }
0x18a: {  	s0 =	simm.s32 @!p0 $0x2  }
0x18b: {  	_ =	swait.ge @!p0 [sflag:s0], s1  }
0x18c: {  	s1 =	ssub.s32 @!p0 $0x0, s1;
	[sflag:s0] =	ssyncset.done @!p0 $0x0  }
0x18d: {  	[sflag:s0] =	ssyncadd.s32 @!p0 s1  }
0x18e: {  	[bflag:$0x3] =	sbarrier.arrive $0xFFFF  }
0x18f: {  	_ =	shalt  }

</sc_bundles>
